<compile_context>
chip_gen: v7x
topology: tpu7x:2x2x1
jax: 0.10.2.dev20260603
libtpu: 0.0.44.dev20260713+nightly
codegen_flags: <defaults>
</compile_context>

<pallas_src>
import functools

import jax
import jax.numpy as jnp
from jax import lax
from jax.experimental import pallas as pl
from jax.experimental.pallas import tpu as pltpu
from jax.experimental.pallas import tpu_sc as plsc

HIDDEN = 2048
VOCAB = 1028
C = 9
B = 16384
D_PAD = 16

_INFO = plsc.get_sparse_core_info()
NC, NS = _INFO.num_cores, _INFO.num_subcores
NW = NC * NS
BPW = B // NW
CHUNK = 128
NCHUNK = BPW // CHUNK

_MESH = plsc.VectorSubcoreMesh(core_axis_name="c", subcore_axis_name="s")


@functools.partial(
    pl.kernel,
    out_type=jax.ShapeDtypeStruct((B, D_PAD), jnp.float32),
    mesh=_MESH,
    scratch_types=[
        pltpu.VMEM((C, NCHUNK, CHUNK), jnp.int32),
        pltpu.VMEM((BPW, D_PAD), jnp.float32),
        pltpu.SemaphoreType.DMA,
        pltpu.SemaphoreType.DMA,
    ],
    compiler_params=pltpu.CompilerParams(use_tc_tiling_on_sc=False),
)
def _embed_sum(tokens_hbm, table_hbm, out_hbm, idx_v, acc_v, isem, gsem):
    wid = lax.axis_index("s") * NC + lax.axis_index("c")
    stage = [pltpu.async_copy(tokens_hbm.at[wid], idx_v, isem)]
    zeros = jnp.zeros((D_PAD,), jnp.float32)

    def _zero_row(i, _):
        acc_v[i, :] = zeros
        return _

    lax.fori_loop(0, BPW, _zero_row, 0)
    for cp in stage:
        cp.wait()
    gathers = [
        pltpu.async_copy(
            table_hbm.at[idx_v.at[c, j]],
            acc_v.at[pl.ds(j * CHUNK, CHUNK)],
            gsem,
            add=True,
        )
        for c in range(C)
        for j in range(NCHUNK)
    ]
    for cp in gathers:
        cp.wait()
    pltpu.sync_copy(acc_v, out_hbm.at[pl.ds(wid * BPW, BPW)])


def kernel(audio_codes, table):
    codes = audio_codes.reshape(B, C)
    compact = table[: C * HIDDEN].reshape(C, HIDDEN, C)[:, :VOCAB, :]
    compact = jnp.pad(compact, ((0, 0), (0, 0), (0, D_PAD - C)))
    compact = compact.reshape(C * VOCAB, D_PAD)
    tokens = codes + jnp.arange(C, dtype=codes.dtype) * VOCAB
    tokens = tokens.reshape(NW, NCHUNK, CHUNK, C).transpose(0, 3, 1, 2)
    out = _embed_sum(tokens, compact)
    return out[:, :C].reshape(B, 1, C)

# --- scband reference (transcript-rebuilt; emitter-appended) ---
"""Pipeline reference for scband-dia-multi-channel-embed-67688684585518 (READ-ONLY COPY).

The authoritative reference and input builder live on the scoring server;
editing this copy changes nothing except your own understanding.
"""

import jax, jax.numpy as jnp
import numpy as np

HIDDEN_SIZE = 2048
VOCAB_SIZE = 1028
NUM_CHANNELS = 9
BATCH = 16384


def setup_inputs(seed: int = 0) -> dict:
    key = jax.random.key(seed)
    k_idx, k_tab = jax.random.split(key)
    audio_codes = jax.random.randint(k_idx, (BATCH, 1, NUM_CHANNELS), 0, VOCAB_SIZE, dtype=jnp.int32)
    # learned embedding table: nn.Embedding(hidden_size * vocab_size, num_channels)
    table = jax.random.normal(k_tab, (HIDDEN_SIZE * VOCAB_SIZE, NUM_CHANNELS), dtype=jnp.float32)
    return {"audio_codes": audio_codes, "table": table}


def reference(audio_codes, table):
    # offsets = arange(num_channels) * hidden_size  (registered buffer)
    offsets = jnp.arange(NUM_CHANNELS, dtype=audio_codes.dtype) * HIDDEN_SIZE
    # tokens = (audio_codes + offsets).squeeze(1)  -> [B, C]
    tokens = jnp.squeeze(audio_codes + offsets, axis=1)
    # embeds = embed(tokens) -> [B, C, num_channels]
    embeds = jnp.take(table, tokens, axis=0)
    # sum over channel axis with keepdim -> [B, 1, num_channels]
    return jnp.sum(embeds, axis=1, keepdims=True)

if __name__ == "__main__":
    import jax
    _d = setup_inputs()
    print(jax.jit(kernel)(*tuple(_d.values())))

</pallas_src>

<mosaic_0001>
#map = affine_map<(d0, d1) -> (0, 0, 0, 0)>
#map1 = affine_map<(d0, d1) -> (0, 0)>
module attributes {stable_mosaic.version = 14 : i64} {
  func.func @_embed_sum(%arg0: i32, %arg1: i32, %arg2: memref<32x9x4x128xi32, #tpu.memory_space<hbm>>, %arg3: memref<9252x16xf32, #tpu.memory_space<hbm>>, %arg4: memref<16384x16xf32, #tpu.memory_space<hbm>>, %arg5: memref<9x4x128xi32, #tpu.memory_space<vmem>>, %arg6: memref<512x16xf32, #tpu.memory_space<vmem>>, %arg7: memref<!tpu.dma_semaphore, #tpu.memory_space<semaphore_mem>>, %arg8: memref<!tpu.dma_semaphore, #tpu.memory_space<semaphore_mem>>) attributes {dimension_semantics = [#tpu.dimension_semantics<core_parallel>, #tpu.dimension_semantics<subcore_parallel>], iteration_bounds = array<i64: 2, 16>, scalar_prefetch = 0 : i64, scratch_operands = 4 : i64, tpu.core_type = #tpu.core_type<sc_vector_subcore>, window_params = [{transform_indices = #map}, {transform_indices = #map1}, {transform_indices = #map1}]} {
    %mul3A = arith.constant 2 : i32
    %mul3A_0 = arith.muli %arg1, %mul3A : i32
    %add3A = arith.addi %mul3A_0, %arg0 : i32
    %dma_start3A = arith.constant 0 : i32
    %dma_start3A_1 = arith.constant 0 : i32
    %dma_start3A_2 = arith.constant 0 : i32
    %dma_start3A_3 = tpu.memref_slice %arg2[%add3A, %dma_start3A, %dma_start3A_1, %dma_start3A_2] : memref<32x9x4x128xi32, #tpu.memory_space<hbm>> -> memref<1x9x4x128xi32, #tpu.memory_space<hbm>>
    %dma_start3A_4 = tpu.memref_squeeze %dma_start3A_3 : memref<1x9x4x128xi32, #tpu.memory_space<hbm>> -> memref<9x4x128xi32, #tpu.memory_space<hbm>>
    %dma_start3A_5 = arith.constant 0 : i32
    %dma_start3A_6 = arith.constant 0 : i32
    %dma_start3A_7 = arith.constant 0 : i32
    %dma_start3A_8 = tpu.memref_slice %arg2[%add3A, %dma_start3A_5, %dma_start3A_6, %dma_start3A_7] : memref<32x9x4x128xi32, #tpu.memory_space<hbm>> -> memref<1x9x4x128xi32, #tpu.memory_space<hbm>>
    %dma_start3A_9 = tpu.memref_squeeze %dma_start3A_8 : memref<1x9x4x128xi32, #tpu.memory_space<hbm>> -> memref<9x4x128xi32, #tpu.memory_space<hbm>>
    tpu.enqueue_dma source(%dma_start3A_9 : memref<9x4x128xi32, #tpu.memory_space<hbm>>) target(%arg5 : memref<9x4x128xi32, #tpu.memory_space<vmem>>) target_semaphore(%arg7 : memref<!tpu.dma_semaphore, #tpu.memory_space<semaphore_mem>>)
    %broadcast_in_dim3A = arith.constant 0.000000e+00 : f32
    %broadcast_in_dim3A_10 = vector.broadcast %broadcast_in_dim3A : f32 to vector<16xf32>
    %scan3A = arith.constant 0 : i32
    %scan3A_11 = arith.constant 0 : i32
    %scan3A_12 = arith.constant 512 : i32
    %scan3A_13 = arith.addi %scan3A_11, %scan3A_12 : i32
    %scan3A_14 = arith.constant 1 : i32
    scf.for %scan3A_819 = %scan3A_11 to %scan3A_13 step %scan3A_14  : i32 {
      %swap3A = arith.index_cast %scan3A_819 : i32 to index
      %swap3A_820 = arith.constant 0 : index
      %swap3A_821 = tpu.vector_load %arg6[%swap3A, %swap3A_820] {strides = array<i32>} : memref<512x16xf32, #tpu.memory_space<vmem>>, vector<1x16xf32>,
      %swap3A_822 = vector.shape_cast %swap3A_821 : vector<1x16xf32> to vector<16xf32>
      %swap3A_823 = vector.shape_cast %broadcast_in_dim3A_10 : vector<16xf32> to vector<1x16xf32>
      tpu.vector_store %arg6[%swap3A, %swap3A_820], %swap3A_823 {strides = array<i32>} : memref<512x16xf32, #tpu.memory_space<vmem>>, vector<1x16xf32>,
    }
    %scan3A_15 = arith.constant 512 : i32
    %dma_wait3A = arith.constant 0 : i32
    %dma_wait3A_16 = arith.constant 0 : i32
    %dma_wait3A_17 = arith.constant 0 : i32
    %dma_wait3A_18 = tpu.memref_slice %arg2[%add3A, %dma_wait3A, %dma_wait3A_16, %dma_wait3A_17] : memref<32x9x4x128xi32, #tpu.memory_space<hbm>> -> memref<1x9x4x128xi32, #tpu.memory_space<hbm>>
    %dma_wait3A_19 = tpu.memref_squeeze %dma_wait3A_18 : memref<1x9x4x128xi32, #tpu.memory_space<hbm>> -> memref<9x4x128xi32, #tpu.memory_space<hbm>>
    %dma_wait3A_20 = arith.constant 0 : i32
    %dma_wait3A_21 = arith.constant 0 : i32
    %dma_wait3A_22 = arith.constant 0 : i32
    %dma_wait3A_23 = tpu.memref_slice %arg2[%add3A, %dma_wait3A_20, %dma_wait3A_21, %dma_wait3A_22] : memref<32x9x4x128xi32, #tpu.memory_space<hbm>> -> memref<1x9x4x128xi32, #tpu.memory_space<hbm>>
    %dma_wait3A_24 = tpu.memref_squeeze %dma_wait3A_23 : memref<1x9x4x128xi32, #tpu.memory_space<hbm>> -> memref<9x4x128xi32, #tpu.memory_space<hbm>>
    tpu.wait_dma2 semaphore(%arg7 : memref<!tpu.dma_semaphore, #tpu.memory_space<semaphore_mem>>) src(%dma_wait3A_24 : memref<9x4x128xi32, #tpu.memory_space<hbm>>) dst(%arg5 : memref<9x4x128xi32, #tpu.memory_space<vmem>>)
    %dma_start3A_25 = arith.constant 0 : i32
    %dma_start3A_26 = arith.constant 0 : i32
    %dma_start3A_27 = arith.constant 0 : i32
    %dma_start3A_28 = arith.constant 0 : i32
    %dma_start3A_29 = tpu.memref_slice %arg6[%dma_start3A_27, %dma_start3A_28] : memref<512x16xf32, #tpu.memory_space<vmem>> -> memref<128x16xf32, #tpu.memory_space<vmem>>
    %dma_start3A_30 = arith.constant 0 : i32
    %dma_start3A_31 = tpu.memref_slice %arg5[%dma_start3A_25, %dma_start3A_26, %dma_start3A_30] : memref<9x4x128xi32, #tpu.memory_space<vmem>> -> memref<1x1x128xi32, #tpu.memory_space<vmem>>
    %dma_start3A_32 = tpu.memref_squeeze %dma_start3A_31 : memref<1x1x128xi32, #tpu.memory_space<vmem>> -> memref<128xi32, #tpu.memory_space<vmem>>
    %dma_start3A_33 = arith.constant 0 : i32
    %dma_start3A_34 = arith.constant 0 : i32
    %dma_start3A_35 = tpu.memref_slice %arg3[%dma_start3A_33, %dma_start3A_34] : memref<9252x16xf32, #tpu.memory_space<hbm>> -> memref<9252x16xf32, #tpu.memory_space<hbm>>
    tpu.enqueue_indirect_dma source(%dma_start3A_35 : memref<9252x16xf32, #tpu.memory_space<hbm>>) target(%dma_start3A_29 : memref<128x16xf32, #tpu.memory_space<vmem>>) offsets(%dma_start3A_32 : memref<128xi32, #tpu.memory_space<vmem>>) semaphore(%arg8 : memref<!tpu.dma_semaphore, #tpu.memory_space<semaphore_mem>>) {add = true}
    %dma_start3A_36 = arith.constant 0 : i32
    %dma_start3A_37 = arith.constant 1 : i32
    %dma_start3A_38 = arith.constant 128 : i32
    %dma_start3A_39 = arith.constant 0 : i32
    %dma_start3A_40 = tpu.memref_slice %arg6[%dma_start3A_38, %dma_start3A_39] : memref<512x16xf32, #tpu.memory_space<vmem>> -> memref<128x16xf32, #tpu.memory_space<vmem>>
    %dma_start3A_41 = arith.constant 0 : i32
    %dma_start3A_42 = tpu.memref_slice %arg5[%dma_start3A_36, %dma_start3A_37, %dma_start3A_41] : memref<9x4x128xi32, #tpu.memory_space<vmem>> -> memref<1x1x128xi32, #tpu.memory_space<vmem>>
    %dma_start3A_43 = tpu.memref_squeeze %dma_start3A_42 : memref<1x1x128xi32, #tpu.memory_space<vmem>> -> memref<128xi32, #tpu.memory_space<vmem>>
    %dma_start3A_44 = arith.constant 0 : i32
    %dma_start3A_45 = arith.constant 0 : i32
    %dma_start3A_46 = tpu.memref_slice %arg3[%dma_start3A_44, %dma_start3A_45] : memref<9252x16xf32, #tpu.memory_space<hbm>> -> memref<9252x16xf32, #tpu.memory_space<hbm>>
    tpu.enqueue_indirect_dma source(%dma_start3A_46 : memref<9252x16xf32, #tpu.memory_space<hbm>>) target(%dma_start3A_40 : memref<128x16xf32, #tpu.memory_space<vmem>>) offsets(%dma_start3A_43 : memref<128xi32, #tpu.memory_space<vmem>>) semaphore(%arg8 : memref<!tpu.dma_semaphore, #tpu.memory_space<semaphore_mem>>) {add = true}
    %dma_start3A_47 = arith.constant 0 : i32
    %dma_start3A_48 = arith.constant 2 : i32
    %dma_start3A_49 = arith.constant 256 : i32
    %dma_start3A_50 = arith.constant 0 : i32
    %dma_start3A_51 = tpu.memref_slice %arg6[%dma_start3A_49, %dma_start3A_50] : memref<512x16xf32, #tpu.memory_space<vmem>> -> memref<128x16xf32, #tpu.memory_space<vmem>>
    %dma_start3A_52 = arith.constant 0 : i32
    %dma_start3A_53 = tpu.memref_slice %arg5[%dma_start3A_47, %dma_start3A_48, %dma_start3A_52] : memref<9x4x128xi32, #tpu.memory_space<vmem>> -> memref<1x1x128xi32, #tpu.memory_space<vmem>>
    %dma_start3A_54 = tpu.memref_squeeze %dma_start3A_53 : memref<1x1x128xi32, #tpu.memory_space<vmem>> -> memref<128xi32, #tpu.memory_space<vmem>>
    %dma_start3A_55 = arith.constant 0 : i32
    %dma_start3A_56 = arith.constant 0 : i32
    %dma_start3A_57 = tpu.memref_slice %arg3[%dma_start3A_55, %dma_start3A_56] : memref<9252x16xf32, #tpu.memory_space<hbm>> -> memref<9252x16xf32, #tpu.memory_space<hbm>>
    tpu.enqueue_indirect_dma source(%dma_start3A_57 : memref<9252x16xf32, #tpu.memory_space<hbm>>) target(%dma_start3A_51 : memref<128x16xf32, #tpu.memory_space<vmem>>) offsets(%dma_start3A_54 : memref<128xi32, #tpu.memory_space<vmem>>) semaphore(%arg8 : memref<!tpu.dma_semaphore, #tpu.memory_space<semaphore_mem>>) {add = true}
    %dma_start3A_58 = arith.constant 0 : i32
    %dma_start3A_59 = arith.constant 3 : i32
    %dma_start3A_60 = arith.constant 384 : i32
    %dma_start3A_61 = arith.constant 0 : i32
    %dma_start3A_62 = tpu.memref_slice %arg6[%dma_start3A_60, %dma_start3A_61] : memref<512x16xf32, #tpu.memory_space<vmem>> -> memref<128x16xf32, #tpu.memory_space<vmem>>
    %dma_start3A_63 = arith.constant 0 : i32
    %dma_start3A_64 = tpu.memref_slice %arg5[%dma_start3A_58, %dma_start3A_59, %dma_start3A_63] : memref<9x4x128xi32, #tpu.memory_space<vmem>> -> memref<1x1x128xi32, #tpu.memory_space<vmem>>
    %dma_start3A_65 = tpu.memref_squeeze %dma_start3A_64 : memref<1x1x128xi32, #tpu.memory_space<vmem>> -> memref<128xi32, #tpu.memory_space<vmem>>
    %dma_start3A_66 = arith.constant 0 : i32
    %dma_start3A_67 = arith.constant 0 : i32
    %dma_start3A_68 = tpu.memref_slice %arg3[%dma_start3A_66, %dma_start3A_67] : memref<9252x16xf32, #tpu.memory_space<hbm>> -> memref<9252x16xf32, #tpu.memory_space<hbm>>
    tpu.enqueue_indirect_dma source(%dma_start3A_68 : memref<9252x16xf32, #tpu.memory_space<hbm>>) target(%dma_start3A_62 : memref<128x16xf32, #tpu.memory_space<vmem>>) offsets(%dma_start3A_65 : memref<128xi32, #tpu.memory_space<vmem>>) semaphore(%arg8 : memref<!tpu.dma_semaphore, #tpu.memory_space<semaphore_mem>>) {add = true}
    %dma_start3A_69 = arith.constant 1 : i32
    %dma_start3A_70 = arith.constant 0 : i32
    %dma_start3A_71 = arith.constant 0 : i32
    %dma_start3A_72 = arith.constant 0 : i32
    %dma_start3A_73 = tpu.memref_slice %arg6[%dma_start3A_71, %dma_start3A_72] : memref<512x16xf32, #tpu.memory_space<vmem>> -> memref<128x16xf32, #tpu.memory_space<vmem>>
    %dma_start3A_74 = arith.constant 0 : i32
    %dma_start3A_75 = tpu.memref_slice %arg5[%dma_start3A_69, %dma_start3A_70, %dma_start3A_74] : memref<9x4x128xi32, #tpu.memory_space<vmem>> -> memref<1x1x128xi32, #tpu.memory_space<vmem>>
    %dma_start3A_76 = tpu.memref_squeeze %dma_start3A_75 : memref<1x1x128xi32, #tpu.memory_space<vmem>> -> memref<128xi32, #tpu.memory_space<vmem>>
    %dma_start3A_77 = arith.constant 0 : i32
    %dma_start3A_78 = arith.constant 0 : i32
    %dma_start3A_79 = tpu.memref_slice %arg3[%dma_start3A_77, %dma_start3A_78] : memref<9252x16xf32, #tpu.memory_space<hbm>> -> memref<9252x16xf32, #tpu.memory_space<hbm>>
    tpu.enqueue_indirect_dma source(%dma_start3A_79 : memref<9252x16xf32, #tpu.memory_space<hbm>>) target(%dma_start3A_73 : memref<128x16xf32, #tpu.memory_space<vmem>>) offsets(%dma_start3A_76 : memref<128xi32, #tpu.memory_space<vmem>>) semaphore(%arg8 : memref<!tpu.dma_semaphore, #tpu.memory_space<semaphore_mem>>) {add = true}
    %dma_start3A_80 = arith.constant 1 : i32
    %dma_start3A_81 = arith.constant 1 : i32
    %dma_start3A_82 = arith.constant 128 : i32
    %dma_start3A_83 = arith.constant 0 : i32
    %dma_start3A_84 = tpu.memref_slice %arg6[%dma_start3A_82, %dma_start3A_83] : memref<512x16xf32, #tpu.memory_space<vmem>> -> memref<128x16xf32, #tpu.memory_space<vmem>>
    %dma_start3A_85 = arith.constant 0 : i32
    %dma_start3A_86 = tpu.memref_slice %arg5[%dma_start3A_80, %dma_start3A_81, %dma_start3A_85] : memref<9x4x128xi32, #tpu.memory_space<vmem>> -> memref<1x1x128xi32, #tpu.memory_space<vmem>>
    %dma_start3A_87 = tpu.memref_squeeze %dma_start3A_86 : memref<1x1x128xi32, #tpu.memory_space<vmem>> -> memref<128xi32, #tpu.memory_space<vmem>>
    %dma_start3A_88 = arith.constant 0 : i32
    %dma_start3A_89 = arith.constant 0 : i32
    %dma_start3A_90 = tpu.memref_slice %arg3[%dma_start3A_88, %dma_start3A_89] : memref<9252x16xf32, #tpu.memory_space<hbm>> -> memref<9252x16xf32, #tpu.memory_space<hbm>>
    tpu.enqueue_indirect_dma source(%dma_start3A_90 : memref<9252x16xf32, #tpu.memory_space<hbm>>) target(%dma_start3A_84 : memref<128x16xf32, #tpu.memory_space<vmem>>) offsets(%dma_start3A_87 : memref<128xi32, #tpu.memory_space<vmem>>) semaphore(%arg8 : memref<!tpu.dma_semaphore, #tpu.memory_space<semaphore_mem>>) {add = true}
    %dma_start3A_91 = arith.constant 1 : i32
    %dma_start3A_92 = arith.constant 2 : i32
    %dma_start3A_93 = arith.constant 256 : i32
    %dma_start3A_94 = arith.constant 0 : i32
    %dma_start3A_95 = tpu.memref_slice %arg6[%dma_start3A_93, %dma_start3A_94] : memref<512x16xf32, #tpu.memory_space<vmem>> -> memref<128x16xf32, #tpu.memory_space<vmem>>
    %dma_start3A_96 = arith.constant 0 : i32
    %dma_start3A_97 = tpu.memref_slice %arg5[%dma_start3A_91, %dma_start3A_92, %dma_start3A_96] : memref<9x4x128xi32, #tpu.memory_space<vmem>> -> memref<1x1x128xi32, #tpu.memory_space<vmem>>
    %dma_start3A_98 = tpu.memref_squeeze %dma_start3A_97 : memref<1x1x128xi32, #tpu.memory_space<vmem>> -> memref<128xi32, #tpu.memory_space<vmem>>
    %dma_start3A_99 = arith.constant 0 : i32
    %dma_start3A_100 = arith.constant 0 : i32
    %dma_start3A_101 = tpu.memref_slice %arg3[%dma_start3A_99, %dma_start3A_100] : memref<9252x16xf32, #tpu.memory_space<hbm>> -> memref<9252x16xf32, #tpu.memory_space<hbm>>
    tpu.enqueue_indirect_dma source(%dma_start3A_101 : memref<9252x16xf32, #tpu.memory_space<hbm>>) target(%dma_start3A_95 : memref<128x16xf32, #tpu.memory_space<vmem>>) offsets(%dma_start3A_98 : memref<128xi32, #tpu.memory_space<vmem>>) semaphore(%arg8 : memref<!tpu.dma_semaphore, #tpu.memory_space<semaphore_mem>>) {add = true}
    %dma_start3A_102 = arith.constant 1 : i32
    %dma_start3A_103 = arith.constant 3 : i32
    %dma_start3A_104 = arith.constant 384 : i32
    %dma_start3A_105 = arith.constant 0 : i32
    %dma_start3A_106 = tpu.memref_slice %arg6[%dma_start3A_104, %dma_start3A_105] : memref<512x16xf32, #tpu.memory_space<vmem>> -> memref<128x16xf32, #tpu.memory_space<vmem>>
    %dma_start3A_107 = arith.constant 0 : i32
    %dma_start3A_108 = tpu.memref_slice %arg5[%dma_start3A_102, %dma_start3A_103, %dma_start3A_107] : memref<9x4x128xi32, #tpu.memory_space<vmem>> -> memref<1x1x128xi32, #tpu.memory_space<vmem>>
    %dma_start3A_109 = tpu.memref_squeeze %dma_start3A_108 : memref<1x1x128xi32, #tpu.memory_space<vmem>> -> memref<128xi32, #tpu.memory_space<vmem>>
    %dma_start3A_110 = arith.constant 0 : i32
    %dma_start3A_111 = arith.constant 0 : i32
    %dma_start3A_112 = tpu.memref_slice %arg3[%dma_start3A_110, %dma_start3A_111] : memref<9252x16xf32, #tpu.memory_space<hbm>> -> memref<9252x16xf32, #tpu.memory_space<hbm>>
    tpu.enqueue_indirect_dma source(%dma_start3A_112 : memref<9252x16xf32, #tpu.memory_space<hbm>>) target(%dma_start3A_106 : memref<128x16xf32, #tpu.memory_space<vmem>>) offsets(%dma_start3A_109 : memref<128xi32, #tpu.memory_space<vmem>>) semaphore(%arg8 : memref<!tpu.dma_semaphore, #tpu.memory_space<semaphore_mem>>) {add = true}
    %dma_start3A_113 = arith.constant 2 : i32
    %dma_start3A_114 = arith.constant 0 : i32
    %dma_start3A_115 = arith.constant 0 : i32
    %dma_start3A_116 = arith.constant 0 : i32
    %dma_start3A_117 = tpu.memref_slice %arg6[%dma_start3A_115, %dma_start3A_116] : memref<512x16xf32, #tpu.memory_space<vmem>> -> memref<128x16xf32, #tpu.memory_space<vmem>>
    %dma_start3A_118 = arith.constant 0 : i32
    %dma_start3A_119 = tpu.memref_slice %arg5[%dma_start3A_113, %dma_start3A_114, %dma_start3A_118] : memref<9x4x128xi32, #tpu.memory_space<vmem>> -> memref<1x1x128xi32, #tpu.memory_space<vmem>>
    %dma_start3A_120 = tpu.memref_squeeze %dma_start3A_119 : memref<1x1x128xi32, #tpu.memory_space<vmem>> -> memref<128xi32, #tpu.memory_space<vmem>>
    %dma_start3A_121 = arith.constant 0 : i32
    %dma_start3A_122 = arith.constant 0 : i32
    %dma_start3A_123 = tpu.memref_slice %arg3[%dma_start3A_121, %dma_start3A_122] : memref<9252x16xf32, #tpu.memory_space<hbm>> -> memref<9252x16xf32, #tpu.memory_space<hbm>>
    tpu.enqueue_indirect_dma source(%dma_start3A_123 : memref<9252x16xf32, #tpu.memory_space<hbm>>) target(%dma_start3A_117 : memref<128x16xf32, #tpu.memory_space<vmem>>) offsets(%dma_start3A_120 : memref<128xi32, #tpu.memory_space<vmem>>) semaphore(%arg8 : memref<!tpu.dma_semaphore, #tpu.memory_space<semaphore_mem>>) {add = true}
    %dma_start3A_124 = arith.constant 2 : i32
    %dma_start3A_125 = arith.constant 1 : i32
    %dma_start3A_126 = arith.constant 128 : i32
    %dma_start3A_127 = arith.constant 0 : i32
    %dma_start3A_128 = tpu.memref_slice %arg6[%dma_start3A_126, %dma_start3A_127] : memref<512x16xf32, #tpu.memory_space<vmem>> -> memref<128x16xf32, #tpu.memory_space<vmem>>
    %dma_start3A_129 = arith.constant 0 : i32
    %dma_start3A_130 = tpu.memref_slice %arg5[%dma_start3A_124, %dma_start3A_125, %dma_start3A_129] : memref<9x4x128xi32, #tpu.memory_space<vmem>> -> memref<1x1x128xi32, #tpu.memory_space<vmem>>
    %dma_start3A_131 = tpu.memref_squeeze %dma_start3A_130 : memref<1x1x128xi32, #tpu.memory_space<vmem>> -> memref<128xi32, #tpu.memory_space<vmem>>
    %dma_start3A_132 = arith.constant 0 : i32
    %dma_start3A_133 = arith.constant 0 : i32
    %dma_start3A_134 = tpu.memref_slice %arg3[%dma_start3A_132, %dma_start3A_133] : memref<9252x16xf32, #tpu.memory_space<hbm>> -> memref<9252x16xf32, #tpu.memory_space<hbm>>
    tpu.enqueue_indirect_dma source(%dma_start3A_134 : memref<9252x16xf32, #tpu.memory_space<hbm>>) target(%dma_start3A_128 : memref<128x16xf32, #tpu.memory_space<vmem>>) offsets(%dma_start3A_131 : memref<128xi32, #tpu.memory_space<vmem>>) semaphore(%arg8 : memref<!tpu.dma_semaphore, #tpu.memory_space<semaphore_mem>>) {add = true}
    %dma_start3A_135 = arith.constant 2 : i32
    %dma_start3A_136 = arith.constant 2 : i32
    %dma_start3A_137 = arith.constant 256 : i32
    %dma_start3A_138 = arith.constant 0 : i32
    %dma_start3A_139 = tpu.memref_slice %arg6[%dma_start3A_137, %dma_start3A_138] : memref<512x16xf32, #tpu.memory_space<vmem>> -> memref<128x16xf32, #tpu.memory_space<vmem>>
    %dma_start3A_140 = arith.constant 0 : i32
    %dma_start3A_141 = tpu.memref_slice %arg5[%dma_start3A_135, %dma_start3A_136, %dma_start3A_140] : memref<9x4x128xi32, #tpu.memory_space<vmem>> -> memref<1x1x128xi32, #tpu.memory_space<vmem>>
    %dma_start3A_142 = tpu.memref_squeeze %dma_start3A_141 : memref<1x1x128xi32, #tpu.memory_space<vmem>> -> memref<128xi32, #tpu.memory_space<vmem>>
    %dma_start3A_143 = arith.constant 0 : i32
    %dma_start3A_144 = arith.constant 0 : i32
    %dma_start3A_145 = tpu.memref_slice %arg3[%dma_start3A_143, %dma_start3A_144] : memref<9252x16xf32, #tpu.memory_space<hbm>> -> memref<9252x16xf32, #tpu.memory_space<hbm>>
    tpu.enqueue_indirect_dma source(%dma_start3A_145 : memref<9252x16xf32, #tpu.memory_space<hbm>>) target(%dma_start3A_139 : memref<128x16xf32, #tpu.memory_space<vmem>>) offsets(%dma_start3A_142 : memref<128xi32, #tpu.memory_space<vmem>>) semaphore(%arg8 : memref<!tpu.dma_semaphore, #tpu.memory_space<semaphore_mem>>) {add = true}
    %dma_start3A_146 = arith.constant 2 : i32
    %dma_start3A_147 = arith.constant 3 : i32
    %dma_start3A_148 = arith.constant 384 : i32
    %dma_start3A_149 = arith.constant 0 : i32
    %dma_start3A_150 = tpu.memref_slice %arg6[%dma_start3A_148, %dma_start3A_149] : memref<512x16xf32, #tpu.memory_space<vmem>> -> memref<128x16xf32, #tpu.memory_space<vmem>>
    %dma_start3A_151 = arith.constant 0 : i32
    %dma_start3A_152 = tpu.memref_slice %arg5[%dma_start3A_146, %dma_start3A_147, %dma_start3A_151] : memref<9x4x128xi32, #tpu.memory_space<vmem>> -> memref<1x1x128xi32, #tpu.memory_space<vmem>>
    %dma_start3A_153 = tpu.memref_squeeze %dma_start3A_152 : memref<1x1x128xi32, #tpu.memory_space<vmem>> -> memref<128xi32, #tpu.memory_space<vmem>>
    %dma_start3A_154 = arith.constant 0 : i32
    %dma_start3A_155 = arith.constant 0 : i32
    %dma_start3A_156 = tpu.memref_slice %arg3[%dma_start3A_154, %dma_start3A_155] : memref<9252x16xf32, #tpu.memory_space<hbm>> -> memref<9252x16xf32, #tpu.memory_space<hbm>>
    tpu.enqueue_indirect_dma source(%dma_start3A_156 : memref<9252x16xf32, #tpu.memory_space<hbm>>) target(%dma_start3A_150 : memref<128x16xf32, #tpu.memory_space<vmem>>) offsets(%dma_start3A_153 : memref<128xi32, #tpu.memory_space<vmem>>) semaphore(%arg8 : memref<!tpu.dma_semaphore, #tpu.memory_space<semaphore_mem>>) {add = true}
    %dma_start3A_157 = arith.constant 3 : i32
    %dma_start3A_158 = arith.constant 0 : i32
    %dma_start3A_159 = arith.constant 0 : i32
    %dma_start3A_160 = arith.constant 0 : i32
    %dma_start3A_161 = tpu.memref_slice %arg6[%dma_start3A_159, %dma_start3A_160] : memref<512x16xf32, #tpu.memory_space<vmem>> -> memref<128x16xf32, #tpu.memory_space<vmem>>
    %dma_start3A_162 = arith.constant 0 : i32
    %dma_start3A_163 = tpu.memref_slice %arg5[%dma_start3A_157, %dma_start3A_158, %dma_start3A_162] : memref<9x4x128xi32, #tpu.memory_space<vmem>> -> memref<1x1x128xi32, #tpu.memory_space<vmem>>
    %dma_start3A_164 = tpu.memref_squeeze %dma_start3A_163 : memref<1x1x128xi32, #tpu.memory_space<vmem>> -> memref<128xi32, #tpu.memory_space<vmem>>
    %dma_start3A_165 = arith.constant 0 : i32
    %dma_start3A_166 = arith.constant 0 : i32
    %dma_start3A_167 = tpu.memref_slice %arg3[%dma_start3A_165, %dma_start3A_166] : memref<9252x16xf32, #tpu.memory_space<hbm>> -> memref<9252x16xf32, #tpu.memory_space<hbm>>
    tpu.enqueue_indirect_dma source(%dma_start3A_167 : memref<9252x16xf32, #tpu.memory_space<hbm>>) target(%dma_start3A_161 : memref<128x16xf32, #tpu.memory_space<vmem>>) offsets(%dma_start3A_164 : memref<128xi32, #tpu.memory_space<vmem>>) semaphore(%arg8 : memref<!tpu.dma_semaphore, #tpu.memory_space<semaphore_mem>>) {add = true}
    %dma_start3A_168 = arith.constant 3 : i32
    %dma_start3A_169 = arith.constant 1 : i32
    %dma_start3A_170 = arith.constant 128 : i32
    %dma_start3A_171 = arith.constant 0 : i32
    %dma_start3A_172 = tpu.memref_slice %arg6[%dma_start3A_170, %dma_start3A_171] : memref<512x16xf32, #tpu.memory_space<vmem>> -> memref<128x16xf32, #tpu.memory_space<vmem>>
    %dma_start3A_173 = arith.constant 0 : i32
    %dma_start3A_174 = tpu.memref_slice %arg5[%dma_start3A_168, %dma_start3A_169, %dma_start3A_173] : memref<9x4x128xi32, #tpu.memory_space<vmem>> -> memref<1x1x128xi32, #tpu.memory_space<vmem>>
    %dma_start3A_175 = tpu.memref_squeeze %dma_start3A_174 : memref<1x1x128xi32, #tpu.memory_space<vmem>> -> memref<128xi32, #tpu.memory_space<vmem>>
    %dma_start3A_176 = arith.constant 0 : i32
    %dma_start3A_177 = arith.constant 0 : i32
    %dma_start3A_178 = tpu.memref_slice %arg3[%dma_start3A_176, %dma_start3A_177] : memref<9252x16xf32, #tpu.memory_space<hbm>> -> memref<9252x16xf32, #tpu.memory_space<hbm>>
    tpu.enqueue_indirect_dma source(%dma_start3A_178 : memref<9252x16xf32, #tpu.memory_space<hbm>>) target(%dma_start3A_172 : memref<128x16xf32, #tpu.memory_space<vmem>>) offsets(%dma_start3A_175 : memref<128xi32, #tpu.memory_space<vmem>>) semaphore(%arg8 : memref<!tpu.dma_semaphore, #tpu.memory_space<semaphore_mem>>) {add = true}
    %dma_start3A_179 = arith.constant 3 : i32
    %dma_start3A_180 = arith.constant 2 : i32
    %dma_start3A_181 = arith.constant 256 : i32
    %dma_start3A_182 = arith.constant 0 : i32
    %dma_start3A_183 = tpu.memref_slice %arg6[%dma_start3A_181, %dma_start3A_182] : memref<512x16xf32, #tpu.memory_space<vmem>> -> memref<128x16xf32, #tpu.memory_space<vmem>>
    %dma_start3A_184 = arith.constant 0 : i32
    %dma_start3A_185 = tpu.memref_slice %arg5[%dma_start3A_179, %dma_start3A_180, %dma_start3A_184] : memref<9x4x128xi32, #tpu.memory_space<vmem>> -> memref<1x1x128xi32, #tpu.memory_space<vmem>>
    %dma_start3A_186 = tpu.memref_squeeze %dma_start3A_185 : memref<1x1x128xi32, #tpu.memory_space<vmem>> -> memref<128xi32, #tpu.memory_space<vmem>>
    %dma_start3A_187 = arith.constant 0 : i32
    %dma_start3A_188 = arith.constant 0 : i32
    %dma_start3A_189 = tpu.memref_slice %arg3[%dma_start3A_187, %dma_start3A_188] : memref<9252x16xf32, #tpu.memory_space<hbm>> -> memref<9252x16xf32, #tpu.memory_space<hbm>>
    tpu.enqueue_indirect_dma source(%dma_start3A_189 : memref<9252x16xf32, #tpu.memory_space<hbm>>) target(%dma_start3A_183 : memref<128x16xf32, #tpu.memory_space<vmem>>) offsets(%dma_start3A_186 : memref<128xi32, #tpu.memory_space<vmem>>) semaphore(%arg8 : memref<!tpu.dma_semaphore, #tpu.memory_space<semaphore_mem>>) {add = true}
    %dma_start3A_190 = arith.constant 3 : i32
    %dma_start3A_191 = arith.constant 3 : i32
    %dma_start3A_192 = arith.constant 384 : i32
    %dma_start3A_193 = arith.constant 0 : i32
    %dma_start3A_194 = tpu.memref_slice %arg6[%dma_start3A_192, %dma_start3A_193] : memref<512x16xf32, #tpu.memory_space<vmem>> -> memref<128x16xf32, #tpu.memory_space<vmem>>
    %dma_start3A_195 = arith.constant 0 : i32
    %dma_start3A_196 = tpu.memref_slice %arg5[%dma_start3A_190, %dma_start3A_191, %dma_start3A_195] : memref<9x4x128xi32, #tpu.memory_space<vmem>> -> memref<1x1x128xi32, #tpu.memory_space<vmem>>
    %dma_start3A_197 = tpu.memref_squeeze %dma_start3A_196 : memref<1x1x128xi32, #tpu.memory_space<vmem>> -> memref<128xi32, #tpu.memory_space<vmem>>
    %dma_start3A_198 = arith.constant 0 : i32
    %dma_start3A_199 = arith.constant 0 : i32
    %dma_start3A_200 = tpu.memref_slice %arg3[%dma_start3A_198, %dma_start3A_199] : memref<9252x16xf32, #tpu.memory_space<hbm>> -> memref<9252x16xf32, #tpu.memory_space<hbm>>
    tpu.enqueue_indirect_dma source(%dma_start3A_200 : memref<9252x16xf32, #tpu.memory_space<hbm>>) target(%dma_start3A_194 : memref<128x16xf32, #tpu.memory_space<vmem>>) offsets(%dma_start3A_197 : memref<128xi32, #tpu.memory_space<vmem>>) semaphore(%arg8 : memref<!tpu.dma_semaphore, #tpu.memory_space<semaphore_mem>>) {add = true}
    %dma_start3A_201 = arith.constant 4 : i32
    %dma_start3A_202 = arith.constant 0 : i32
    %dma_start3A_203 = arith.constant 0 : i32
    %dma_start3A_204 = arith.constant 0 : i32
    %dma_start3A_205 = tpu.memref_slice %arg6[%dma_start3A_203, %dma_start3A_204] : memref<512x16xf32, #tpu.memory_space<vmem>> -> memref<128x16xf32, #tpu.memory_space<vmem>>
    %dma_start3A_206 = arith.constant 0 : i32
    %dma_start3A_207 = tpu.memref_slice %arg5[%dma_start3A_201, %dma_start3A_202, %dma_start3A_206] : memref<9x4x128xi32, #tpu.memory_space<vmem>> -> memref<1x1x128xi32, #tpu.memory_space<vmem>>
    %dma_start3A_208 = tpu.memref_squeeze %dma_start3A_207 : memref<1x1x128xi32, #tpu.memory_space<vmem>> -> memref<128xi32, #tpu.memory_space<vmem>>
    %dma_start3A_209 = arith.constant 0 : i32
    %dma_start3A_210 = arith.constant 0 : i32
    %dma_start3A_211 = tpu.memref_slice %arg3[%dma_start3A_209, %dma_start3A_210] : memref<9252x16xf32, #tpu.memory_space<hbm>> -> memref<9252x16xf32, #tpu.memory_space<hbm>>
    tpu.enqueue_indirect_dma source(%dma_start3A_211 : memref<9252x16xf32, #tpu.memory_space<hbm>>) target(%dma_start3A_205 : memref<128x16xf32, #tpu.memory_space<vmem>>) offsets(%dma_start3A_208 : memref<128xi32, #tpu.memory_space<vmem>>) semaphore(%arg8 : memref<!tpu.dma_semaphore, #tpu.memory_space<semaphore_mem>>) {add = true}
    %dma_start3A_212 = arith.constant 4 : i32
    %dma_start3A_213 = arith.constant 1 : i32
    %dma_start3A_214 = arith.constant 128 : i32
    %dma_start3A_215 = arith.constant 0 : i32
    %dma_start3A_216 = tpu.memref_slice %arg6[%dma_start3A_214, %dma_start3A_215] : memref<512x16xf32, #tpu.memory_space<vmem>> -> memref<128x16xf32, #tpu.memory_space<vmem>>
    %dma_start3A_217 = arith.constant 0 : i32
    %dma_start3A_218 = tpu.memref_slice %arg5[%dma_start3A_212, %dma_start3A_213, %dma_start3A_217] : memref<9x4x128xi32, #tpu.memory_space<vmem>> -> memref<1x1x128xi32, #tpu.memory_space<vmem>>
    %dma_start3A_219 = tpu.memref_squeeze %dma_start3A_218 : memref<1x1x128xi32, #tpu.memory_space<vmem>> -> memref<128xi32, #tpu.memory_space<vmem>>
    %dma_start3A_220 = arith.constant 0 : i32
    %dma_start3A_221 = arith.constant 0 : i32
    %dma_start3A_222 = tpu.memref_slice %arg3[%dma_start3A_220, %dma_start3A_221] : memref<9252x16xf32, #tpu.memory_space<hbm>> -> memref<9252x16xf32, #tpu.memory_space<hbm>>
    tpu.enqueue_indirect_dma source(%dma_start3A_222 : memref<9252x16xf32, #tpu.memory_space<hbm>>) target(%dma_start3A_216 : memref<128x16xf32, #tpu.memory_space<vmem>>) offsets(%dma_start3A_219 : memref<128xi32, #tpu.memory_space<vmem>>) semaphore(%arg8 : memref<!tpu.dma_semaphore, #tpu.memory_space<semaphore_mem>>) {add = true}
    %dma_start3A_223 = arith.constant 4 : i32
    %dma_start3A_224 = arith.constant 2 : i32
    %dma_start3A_225 = arith.constant 256 : i32
    %dma_start3A_226 = arith.constant 0 : i32
    %dma_start3A_227 = tpu.memref_slice %arg6[%dma_start3A_225, %dma_start3A_226] : memref<512x16xf32, #tpu.memory_space<vmem>> -> memref<128x16xf32, #tpu.memory_space<vmem>>
    %dma_start3A_228 = arith.constant 0 : i32
    %dma_start3A_229 = tpu.memref_slice %arg5[%dma_start3A_223, %dma_start3A_224, %dma_start3A_228] : memref<9x4x128xi32, #tpu.memory_space<vmem>> -> memref<1x1x128xi32, #tpu.memory_space<vmem>>
    %dma_start3A_230 = tpu.memref_squeeze %dma_start3A_229 : memref<1x1x128xi32, #tpu.memory_space<vmem>> -> memref<128xi32, #tpu.memory_space<vmem>>
    %dma_start3A_231 = arith.constant 0 : i32
    %dma_start3A_232 = arith.constant 0 : i32
    %dma_start3A_233 = tpu.memref_slice %arg3[%dma_start3A_231, %dma_start3A_232] : memref<9252x16xf32, #tpu.memory_space<hbm>> -> memref<9252x16xf32, #tpu.memory_space<hbm>>
    tpu.enqueue_indirect_dma source(%dma_start3A_233 : memref<9252x16xf32, #tpu.memory_space<hbm>>) target(%dma_start3A_227 : memref<128x16xf32, #tpu.memory_space<vmem>>) offsets(%dma_start3A_230 : memref<128xi32, #tpu.memory_space<vmem>>) semaphore(%arg8 : memref<!tpu.dma_semaphore, #tpu.memory_space<semaphore_mem>>) {add = true}
    %dma_start3A_234 = arith.constant 4 : i32
    %dma_start3A_235 = arith.constant 3 : i32
    %dma_start3A_236 = arith.constant 384 : i32
    %dma_start3A_237 = arith.constant 0 : i32
    %dma_start3A_238 = tpu.memref_slice %arg6[%dma_start3A_236, %dma_start3A_237] : memref<512x16xf32, #tpu.memory_space<vmem>> -> memref<128x16xf32, #tpu.memory_space<vmem>>
    %dma_start3A_239 = arith.constant 0 : i32
    %dma_start3A_240 = tpu.memref_slice %arg5[%dma_start3A_234, %dma_start3A_235, %dma_start3A_239] : memref<9x4x128xi32, #tpu.memory_space<vmem>> -> memref<1x1x128xi32, #tpu.memory_space<vmem>>
    %dma_start3A_241 = tpu.memref_squeeze %dma_start3A_240 : memref<1x1x128xi32, #tpu.memory_space<vmem>> -> memref<128xi32, #tpu.memory_space<vmem>>
    %dma_start3A_242 = arith.constant 0 : i32
    %dma_start3A_243 = arith.constant 0 : i32
    %dma_start3A_244 = tpu.memref_slice %arg3[%dma_start3A_242, %dma_start3A_243] : memref<9252x16xf32, #tpu.memory_space<hbm>> -> memref<9252x16xf32, #tpu.memory_space<hbm>>
    tpu.enqueue_indirect_dma source(%dma_start3A_244 : memref<9252x16xf32, #tpu.memory_space<hbm>>) target(%dma_start3A_238 : memref<128x16xf32, #tpu.memory_space<vmem>>) offsets(%dma_start3A_241 : memref<128xi32, #tpu.memory_space<vmem>>) semaphore(%arg8 : memref<!tpu.dma_semaphore, #tpu.memory_space<semaphore_mem>>) {add = true}
    %dma_start3A_245 = arith.constant 5 : i32
    %dma_start3A_246 = arith.constant 0 : i32
    %dma_start3A_247 = arith.constant 0 : i32
    %dma_start3A_248 = arith.constant 0 : i32
    %dma_start3A_249 = tpu.memref_slice %arg6[%dma_start3A_247, %dma_start3A_248] : memref<512x16xf32, #tpu.memory_space<vmem>> -> memref<128x16xf32, #tpu.memory_space<vmem>>
    %dma_start3A_250 = arith.constant 0 : i32
    %dma_start3A_251 = tpu.memref_slice %arg5[%dma_start3A_245, %dma_start3A_246, %dma_start3A_250] : memref<9x4x128xi32, #tpu.memory_space<vmem>> -> memref<1x1x128xi32, #tpu.memory_space<vmem>>
    %dma_start3A_252 = tpu.memref_squeeze %dma_start3A_251 : memref<1x1x128xi32, #tpu.memory_space<vmem>> -> memref<128xi32, #tpu.memory_space<vmem>>
    %dma_start3A_253 = arith.constant 0 : i32
    %dma_start3A_254 = arith.constant 0 : i32
    %dma_start3A_255 = tpu.memref_slice %arg3[%dma_start3A_253, %dma_start3A_254] : memref<9252x16xf32, #tpu.memory_space<hbm>> -> memref<9252x16xf32, #tpu.memory_space<hbm>>
    tpu.enqueue_indirect_dma source(%dma_start3A_255 : memref<9252x16xf32, #tpu.memory_space<hbm>>) target(%dma_start3A_249 : memref<128x16xf32, #tpu.memory_space<vmem>>) offsets(%dma_start3A_252 : memref<128xi32, #tpu.memory_space<vmem>>) semaphore(%arg8 : memref<!tpu.dma_semaphore, #tpu.memory_space<semaphore_mem>>) {add = true}
    %dma_start3A_256 = arith.constant 5 : i32
    %dma_start3A_257 = arith.constant 1 : i32
    %dma_start3A_258 = arith.constant 128 : i32
    %dma_start3A_259 = arith.constant 0 : i32
    %dma_start3A_260 = tpu.memref_slice %arg6[%dma_start3A_258, %dma_start3A_259] : memref<512x16xf32, #tpu.memory_space<vmem>> -> memref<128x16xf32, #tpu.memory_space<vmem>>
    %dma_start3A_261 = arith.constant 0 : i32
    %dma_start3A_262 = tpu.memref_slice %arg5[%dma_start3A_256, %dma_start3A_257, %dma_start3A_261] : memref<9x4x128xi32, #tpu.memory_space<vmem>> -> memref<1x1x128xi32, #tpu.memory_space<vmem>>
    %dma_start3A_263 = tpu.memref_squeeze %dma_start3A_262 : memref<1x1x128xi32, #tpu.memory_space<vmem>> -> memref<128xi32, #tpu.memory_space<vmem>>
    %dma_start3A_264 = arith.constant 0 : i32
    %dma_start3A_265 = arith.constant 0 : i32
    %dma_start3A_266 = tpu.memref_slice %arg3[%dma_start3A_264, %dma_start3A_265] : memref<9252x16xf32, #tpu.memory_space<hbm>> -> memref<9252x16xf32, #tpu.memory_space<hbm>>
    tpu.enqueue_indirect_dma source(%dma_start3A_266 : memref<9252x16xf32, #tpu.memory_space<hbm>>) target(%dma_start3A_260 : memref<128x16xf32, #tpu.memory_space<vmem>>) offsets(%dma_start3A_263 : memref<128xi32, #tpu.memory_space<vmem>>) semaphore(%arg8 : memref<!tpu.dma_semaphore, #tpu.memory_space<semaphore_mem>>) {add = true}
    %dma_start3A_267 = arith.constant 5 : i32
    %dma_start3A_268 = arith.constant 2 : i32
    %dma_start3A_269 = arith.constant 256 : i32
    %dma_start3A_270 = arith.constant 0 : i32
    %dma_start3A_271 = tpu.memref_slice %arg6[%dma_start3A_269, %dma_start3A_270] : memref<512x16xf32, #tpu.memory_space<vmem>> -> memref<128x16xf32, #tpu.memory_space<vmem>>
    %dma_start3A_272 = arith.constant 0 : i32
    %dma_start3A_273 = tpu.memref_slice %arg5[%dma_start3A_267, %dma_start3A_268, %dma_start3A_272] : memref<9x4x128xi32, #tpu.memory_space<vmem>> -> memref<1x1x128xi32, #tpu.memory_space<vmem>>
    %dma_start3A_274 = tpu.memref_squeeze %dma_start3A_273 : memref<1x1x128xi32, #tpu.memory_space<vmem>> -> memref<128xi32, #tpu.memory_space<vmem>>
    %dma_start3A_275 = arith.constant 0 : i32
    %dma_start3A_276 = arith.constant 0 : i32
    %dma_start3A_277 = tpu.memref_slice %arg3[%dma_start3A_275, %dma_start3A_276] : memref<9252x16xf32, #tpu.memory_space<hbm>> -> memref<9252x16xf32, #tpu.memory_space<hbm>>
    tpu.enqueue_indirect_dma source(%dma_start3A_277 : memref<9252x16xf32, #tpu.memory_space<hbm>>) target(%dma_start3A_271 : memref<128x16xf32, #tpu.memory_space<vmem>>) offsets(%dma_start3A_274 : memref<128xi32, #tpu.memory_space<vmem>>) semaphore(%arg8 : memref<!tpu.dma_semaphore, #tpu.memory_space<semaphore_mem>>) {add = true}
    %dma_start3A_278 = arith.constant 5 : i32
    %dma_start3A_279 = arith.constant 3 : i32
    %dma_start3A_280 = arith.constant 384 : i32
    %dma_start3A_281 = arith.constant 0 : i32
    %dma_start3A_282 = tpu.memref_slice %arg6[%dma_start3A_280, %dma_start3A_281] : memref<512x16xf32, #tpu.memory_space<vmem>> -> memref<128x16xf32, #tpu.memory_space<vmem>>
    %dma_start3A_283 = arith.constant 0 : i32
    %dma_start3A_284 = tpu.memref_slice %arg5[%dma_start3A_278, %dma_start3A_279, %dma_start3A_283] : memref<9x4x128xi32, #tpu.memory_space<vmem>> -> memref<1x1x128xi32, #tpu.memory_space<vmem>>
    %dma_start3A_285 = tpu.memref_squeeze %dma_start3A_284 : memref<1x1x128xi32, #tpu.memory_space<vmem>> -> memref<128xi32, #tpu.memory_space<vmem>>
    %dma_start3A_286 = arith.constant 0 : i32
    %dma_start3A_287 = arith.constant 0 : i32
    %dma_start3A_288 = tpu.memref_slice %arg3[%dma_start3A_286, %dma_start3A_287] : memref<9252x16xf32, #tpu.memory_space<hbm>> -> memref<9252x16xf32, #tpu.memory_space<hbm>>
    tpu.enqueue_indirect_dma source(%dma_start3A_288 : memref<9252x16xf32, #tpu.memory_space<hbm>>) target(%dma_start3A_282 : memref<128x16xf32, #tpu.memory_space<vmem>>) offsets(%dma_start3A_285 : memref<128xi32, #tpu.memory_space<vmem>>) semaphore(%arg8 : memref<!tpu.dma_semaphore, #tpu.memory_space<semaphore_mem>>) {add = true}
    %dma_start3A_289 = arith.constant 6 : i32
    %dma_start3A_290 = arith.constant 0 : i32
    %dma_start3A_291 = arith.constant 0 : i32
    %dma_start3A_292 = arith.constant 0 : i32
    %dma_start3A_293 = tpu.memref_slice %arg6[%dma_start3A_291, %dma_start3A_292] : memref<512x16xf32, #tpu.memory_space<vmem>> -> memref<128x16xf32, #tpu.memory_space<vmem>>
    %dma_start3A_294 = arith.constant 0 : i32
    %dma_start3A_295 = tpu.memref_slice %arg5[%dma_start3A_289, %dma_start3A_290, %dma_start3A_294] : memref<9x4x128xi32, #tpu.memory_space<vmem>> -> memref<1x1x128xi32, #tpu.memory_space<vmem>>
    %dma_start3A_296 = tpu.memref_squeeze %dma_start3A_295 : memref<1x1x128xi32, #tpu.memory_space<vmem>> -> memref<128xi32, #tpu.memory_space<vmem>>
    %dma_start3A_297 = arith.constant 0 : i32
    %dma_start3A_298 = arith.constant 0 : i32
    %dma_start3A_299 = tpu.memref_slice %arg3[%dma_start3A_297, %dma_start3A_298] : memref<9252x16xf32, #tpu.memory_space<hbm>> -> memref<9252x16xf32, #tpu.memory_space<hbm>>
    tpu.enqueue_indirect_dma source(%dma_start3A_299 : memref<9252x16xf32, #tpu.memory_space<hbm>>) target(%dma_start3A_293 : memref<128x16xf32, #tpu.memory_space<vmem>>) offsets(%dma_start3A_296 : memref<128xi32, #tpu.memory_space<vmem>>) semaphore(%arg8 : memref<!tpu.dma_semaphore, #tpu.memory_space<semaphore_mem>>) {add = true}
    %dma_start3A_300 = arith.constant 6 : i32
    %dma_start3A_301 = arith.constant 1 : i32
    %dma_start3A_302 = arith.constant 128 : i32
    %dma_start3A_303 = arith.constant 0 : i32
    %dma_start3A_304 = tpu.memref_slice %arg6[%dma_start3A_302, %dma_start3A_303] : memref<512x16xf32, #tpu.memory_space<vmem>> -> memref<128x16xf32, #tpu.memory_space<vmem>>
    %dma_start3A_305 = arith.constant 0 : i32
    %dma_start3A_306 = tpu.memref_slice %arg5[%dma_start3A_300, %dma_start3A_301, %dma_start3A_305] : memref<9x4x128xi32, #tpu.memory_space<vmem>> -> memref<1x1x128xi32, #tpu.memory_space<vmem>>
    %dma_start3A_307 = tpu.memref_squeeze %dma_start3A_306 : memref<1x1x128xi32, #tpu.memory_space<vmem>> -> memref<128xi32, #tpu.memory_space<vmem>>
    %dma_start3A_308 = arith.constant 0 : i32
    %dma_start3A_309 = arith.constant 0 : i32
    %dma_start3A_310 = tpu.memref_slice %arg3[%dma_start3A_308, %dma_start3A_309] : memref<9252x16xf32, #tpu.memory_space<hbm>> -> memref<9252x16xf32, #tpu.memory_space<hbm>>
    tpu.enqueue_indirect_dma source(%dma_start3A_310 : memref<9252x16xf32, #tpu.memory_space<hbm>>) target(%dma_start3A_304 : memref<128x16xf32, #tpu.memory_space<vmem>>) offsets(%dma_start3A_307 : memref<128xi32, #tpu.memory_space<vmem>>) semaphore(%arg8 : memref<!tpu.dma_semaphore, #tpu.memory_space<semaphore_mem>>) {add = true}
    %dma_start3A_311 = arith.constant 6 : i32
    %dma_start3A_312 = arith.constant 2 : i32
    %dma_start3A_313 = arith.constant 256 : i32
    %dma_start3A_314 = arith.constant 0 : i32
    %dma_start3A_315 = tpu.memref_slice %arg6[%dma_start3A_313, %dma_start3A_314] : memref<512x16xf32, #tpu.memory_space<vmem>> -> memref<128x16xf32, #tpu.memory_space<vmem>>
    %dma_start3A_316 = arith.constant 0 : i32
    %dma_start3A_317 = tpu.memref_slice %arg5[%dma_start3A_311, %dma_start3A_312, %dma_start3A_316] : memref<9x4x128xi32, #tpu.memory_space<vmem>> -> memref<1x1x128xi32, #tpu.memory_space<vmem>>
    %dma_start3A_318 = tpu.memref_squeeze %dma_start3A_317 : memref<1x1x128xi32, #tpu.memory_space<vmem>> -> memref<128xi32, #tpu.memory_space<vmem>>
    %dma_start3A_319 = arith.constant 0 : i32
    %dma_start3A_320 = arith.constant 0 : i32
    %dma_start3A_321 = tpu.memref_slice %arg3[%dma_start3A_319, %dma_start3A_320] : memref<9252x16xf32, #tpu.memory_space<hbm>> -> memref<9252x16xf32, #tpu.memory_space<hbm>>
    tpu.enqueue_indirect_dma source(%dma_start3A_321 : memref<9252x16xf32, #tpu.memory_space<hbm>>) target(%dma_start3A_315 : memref<128x16xf32, #tpu.memory_space<vmem>>) offsets(%dma_start3A_318 : memref<128xi32, #tpu.memory_space<vmem>>) semaphore(%arg8 : memref<!tpu.dma_semaphore, #tpu.memory_space<semaphore_mem>>) {add = true}
    %dma_start3A_322 = arith.constant 6 : i32
    %dma_start3A_323 = arith.constant 3 : i32
    %dma_start3A_324 = arith.constant 384 : i32
    %dma_start3A_325 = arith.constant 0 : i32
    %dma_start3A_326 = tpu.memref_slice %arg6[%dma_start3A_324, %dma_start3A_325] : memref<512x16xf32, #tpu.memory_space<vmem>> -> memref<128x16xf32, #tpu.memory_space<vmem>>
    %dma_start3A_327 = arith.constant 0 : i32
    %dma_start3A_328 = tpu.memref_slice %arg5[%dma_start3A_322, %dma_start3A_323, %dma_start3A_327] : memref<9x4x128xi32, #tpu.memory_space<vmem>> -> memref<1x1x128xi32, #tpu.memory_space<vmem>>
    %dma_start3A_329 = tpu.memref_squeeze %dma_start3A_328 : memref<1x1x128xi32, #tpu.memory_space<vmem>> -> memref<128xi32, #tpu.memory_space<vmem>>
    %dma_start3A_330 = arith.constant 0 : i32
    %dma_start3A_331 = arith.constant 0 : i32
    %dma_start3A_332 = tpu.memref_slice %arg3[%dma_start3A_330, %dma_start3A_331] : memref<9252x16xf32, #tpu.memory_space<hbm>> -> memref<9252x16xf32, #tpu.memory_space<hbm>>
    tpu.enqueue_indirect_dma source(%dma_start3A_332 : memref<9252x16xf32, #tpu.memory_space<hbm>>) target(%dma_start3A_326 : memref<128x16xf32, #tpu.memory_space<vmem>>) offsets(%dma_start3A_329 : memref<128xi32, #tpu.memory_space<vmem>>) semaphore(%arg8 : memref<!tpu.dma_semaphore, #tpu.memory_space<semaphore_mem>>) {add = true}
    %dma_start3A_333 = arith.constant 7 : i32
    %dma_start3A_334 = arith.constant 0 : i32
    %dma_start3A_335 = arith.constant 0 : i32
    %dma_start3A_336 = arith.constant 0 : i32
    %dma_start3A_337 = tpu.memref_slice %arg6[%dma_start3A_335, %dma_start3A_336] : memref<512x16xf32, #tpu.memory_space<vmem>> -> memref<128x16xf32, #tpu.memory_space<vmem>>
    %dma_start3A_338 = arith.constant 0 : i32
    %dma_start3A_339 = tpu.memref_slice %arg5[%dma_start3A_333, %dma_start3A_334, %dma_start3A_338] : memref<9x4x128xi32, #tpu.memory_space<vmem>> -> memref<1x1x128xi32, #tpu.memory_space<vmem>>
    %dma_start3A_340 = tpu.memref_squeeze %dma_start3A_339 : memref<1x1x128xi32, #tpu.memory_space<vmem>> -> memref<128xi32, #tpu.memory_space<vmem>>
    %dma_start3A_341 = arith.constant 0 : i32
    %dma_start3A_342 = arith.constant 0 : i32
    %dma_start3A_343 = tpu.memref_slice %arg3[%dma_start3A_341, %dma_start3A_342] : memref<9252x16xf32, #tpu.memory_space<hbm>> -> memref<9252x16xf32, #tpu.memory_space<hbm>>
    tpu.enqueue_indirect_dma source(%dma_start3A_343 : memref<9252x16xf32, #tpu.memory_space<hbm>>) target(%dma_start3A_337 : memref<128x16xf32, #tpu.memory_space<vmem>>) offsets(%dma_start3A_340 : memref<128xi32, #tpu.memory_space<vmem>>) semaphore(%arg8 : memref<!tpu.dma_semaphore, #tpu.memory_space<semaphore_mem>>) {add = true}
    %dma_start3A_344 = arith.constant 7 : i32
    %dma_start3A_345 = arith.constant 1 : i32
    %dma_start3A_346 = arith.constant 128 : i32
    %dma_start3A_347 = arith.constant 0 : i32
    %dma_start3A_348 = tpu.memref_slice %arg6[%dma_start3A_346, %dma_start3A_347] : memref<512x16xf32, #tpu.memory_space<vmem>> -> memref<128x16xf32, #tpu.memory_space<vmem>>
    %dma_start3A_349 = arith.constant 0 : i32
    %dma_start3A_350 = tpu.memref_slice %arg5[%dma_start3A_344, %dma_start3A_345, %dma_start3A_349] : memref<9x4x128xi32, #tpu.memory_space<vmem>> -> memref<1x1x128xi32, #tpu.memory_space<vmem>>
    %dma_start3A_351 = tpu.memref_squeeze %dma_start3A_350 : memref<1x1x128xi32, #tpu.memory_space<vmem>> -> memref<128xi32, #tpu.memory_space<vmem>>
    %dma_start3A_352 = arith.constant 0 : i32
    %dma_start3A_353 = arith.constant 0 : i32
    %dma_start3A_354 = tpu.memref_slice %arg3[%dma_start3A_352, %dma_start3A_353] : memref<9252x16xf32, #tpu.memory_space<hbm>> -> memref<9252x16xf32, #tpu.memory_space<hbm>>
    tpu.enqueue_indirect_dma source(%dma_start3A_354 : memref<9252x16xf32, #tpu.memory_space<hbm>>) target(%dma_start3A_348 : memref<128x16xf32, #tpu.memory_space<vmem>>) offsets(%dma_start3A_351 : memref<128xi32, #tpu.memory_space<vmem>>) semaphore(%arg8 : memref<!tpu.dma_semaphore, #tpu.memory_space<semaphore_mem>>) {add = true}
    %dma_start3A_355 = arith.constant 7 : i32
    %dma_start3A_356 = arith.constant 2 : i32
    %dma_start3A_357 = arith.constant 256 : i32
    %dma_start3A_358 = arith.constant 0 : i32
    %dma_start3A_359 = tpu.memref_slice %arg6[%dma_start3A_357, %dma_start3A_358] : memref<512x16xf32, #tpu.memory_space<vmem>> -> memref<128x16xf32, #tpu.memory_space<vmem>>
    %dma_start3A_360 = arith.constant 0 : i32
    %dma_start3A_361 = tpu.memref_slice %arg5[%dma_start3A_355, %dma_start3A_356, %dma_start3A_360] : memref<9x4x128xi32, #tpu.memory_space<vmem>> -> memref<1x1x128xi32, #tpu.memory_space<vmem>>
    %dma_start3A_362 = tpu.memref_squeeze %dma_start3A_361 : memref<1x1x128xi32, #tpu.memory_space<vmem>> -> memref<128xi32, #tpu.memory_space<vmem>>
    %dma_start3A_363 = arith.constant 0 : i32
    %dma_start3A_364 = arith.constant 0 : i32
    %dma_start3A_365 = tpu.memref_slice %arg3[%dma_start3A_363, %dma_start3A_364] : memref<9252x16xf32, #tpu.memory_space<hbm>> -> memref<9252x16xf32, #tpu.memory_space<hbm>>
    tpu.enqueue_indirect_dma source(%dma_start3A_365 : memref<9252x16xf32, #tpu.memory_space<hbm>>) target(%dma_start3A_359 : memref<128x16xf32, #tpu.memory_space<vmem>>) offsets(%dma_start3A_362 : memref<128xi32, #tpu.memory_space<vmem>>) semaphore(%arg8 : memref<!tpu.dma_semaphore, #tpu.memory_space<semaphore_mem>>) {add = true}
    %dma_start3A_366 = arith.constant 7 : i32
    %dma_start3A_367 = arith.constant 3 : i32
    %dma_start3A_368 = arith.constant 384 : i32
    %dma_start3A_369 = arith.constant 0 : i32
    %dma_start3A_370 = tpu.memref_slice %arg6[%dma_start3A_368, %dma_start3A_369] : memref<512x16xf32, #tpu.memory_space<vmem>> -> memref<128x16xf32, #tpu.memory_space<vmem>>
    %dma_start3A_371 = arith.constant 0 : i32
    %dma_start3A_372 = tpu.memref_slice %arg5[%dma_start3A_366, %dma_start3A_367, %dma_start3A_371] : memref<9x4x128xi32, #tpu.memory_space<vmem>> -> memref<1x1x128xi32, #tpu.memory_space<vmem>>
    %dma_start3A_373 = tpu.memref_squeeze %dma_start3A_372 : memref<1x1x128xi32, #tpu.memory_space<vmem>> -> memref<128xi32, #tpu.memory_space<vmem>>
    %dma_start3A_374 = arith.constant 0 : i32
    %dma_start3A_375 = arith.constant 0 : i32
    %dma_start3A_376 = tpu.memref_slice %arg3[%dma_start3A_374, %dma_start3A_375] : memref<9252x16xf32, #tpu.memory_space<hbm>> -> memref<9252x16xf32, #tpu.memory_space<hbm>>
    tpu.enqueue_indirect_dma source(%dma_start3A_376 : memref<9252x16xf32, #tpu.memory_space<hbm>>) target(%dma_start3A_370 : memref<128x16xf32, #tpu.memory_space<vmem>>) offsets(%dma_start3A_373 : memref<128xi32, #tpu.memory_space<vmem>>) semaphore(%arg8 : memref<!tpu.dma_semaphore, #tpu.memory_space<semaphore_mem>>) {add = true}
    %dma_start3A_377 = arith.constant 8 : i32
    %dma_start3A_378 = arith.constant 0 : i32
    %dma_start3A_379 = arith.constant 0 : i32
    %dma_start3A_380 = arith.constant 0 : i32
    %dma_start3A_381 = tpu.memref_slice %arg6[%dma_start3A_379, %dma_start3A_380] : memref<512x16xf32, #tpu.memory_space<vmem>> -> memref<128x16xf32, #tpu.memory_space<vmem>>
    %dma_start3A_382 = arith.constant 0 : i32
    %dma_start3A_383 = tpu.memref_slice %arg5[%dma_start3A_377, %dma_start3A_378, %dma_start3A_382] : memref<9x4x128xi32, #tpu.memory_space<vmem>> -> memref<1x1x128xi32, #tpu.memory_space<vmem>>
    %dma_start3A_384 = tpu.memref_squeeze %dma_start3A_383 : memref<1x1x128xi32, #tpu.memory_space<vmem>> -> memref<128xi32, #tpu.memory_space<vmem>>
    %dma_start3A_385 = arith.constant 0 : i32
    %dma_start3A_386 = arith.constant 0 : i32
    %dma_start3A_387 = tpu.memref_slice %arg3[%dma_start3A_385, %dma_start3A_386] : memref<9252x16xf32, #tpu.memory_space<hbm>> -> memref<9252x16xf32, #tpu.memory_space<hbm>>
    tpu.enqueue_indirect_dma source(%dma_start3A_387 : memref<9252x16xf32, #tpu.memory_space<hbm>>) target(%dma_start3A_381 : memref<128x16xf32, #tpu.memory_space<vmem>>) offsets(%dma_start3A_384 : memref<128xi32, #tpu.memory_space<vmem>>) semaphore(%arg8 : memref<!tpu.dma_semaphore, #tpu.memory_space<semaphore_mem>>) {add = true}
    %dma_start3A_388 = arith.constant 8 : i32
    %dma_start3A_389 = arith.constant 1 : i32
    %dma_start3A_390 = arith.constant 128 : i32
    %dma_start3A_391 = arith.constant 0 : i32
    %dma_start3A_392 = tpu.memref_slice %arg6[%dma_start3A_390, %dma_start3A_391] : memref<512x16xf32, #tpu.memory_space<vmem>> -> memref<128x16xf32, #tpu.memory_space<vmem>>
    %dma_start3A_393 = arith.constant 0 : i32
    %dma_start3A_394 = tpu.memref_slice %arg5[%dma_start3A_388, %dma_start3A_389, %dma_start3A_393] : memref<9x4x128xi32, #tpu.memory_space<vmem>> -> memref<1x1x128xi32, #tpu.memory_space<vmem>>
    %dma_start3A_395 = tpu.memref_squeeze %dma_start3A_394 : memref<1x1x128xi32, #tpu.memory_space<vmem>> -> memref<128xi32, #tpu.memory_space<vmem>>
    %dma_start3A_396 = arith.constant 0 : i32
    %dma_start3A_397 = arith.constant 0 : i32
    %dma_start3A_398 = tpu.memref_slice %arg3[%dma_start3A_396, %dma_start3A_397] : memref<9252x16xf32, #tpu.memory_space<hbm>> -> memref<9252x16xf32, #tpu.memory_space<hbm>>
    tpu.enqueue_indirect_dma source(%dma_start3A_398 : memref<9252x16xf32, #tpu.memory_space<hbm>>) target(%dma_start3A_392 : memref<128x16xf32, #tpu.memory_space<vmem>>) offsets(%dma_start3A_395 : memref<128xi32, #tpu.memory_space<vmem>>) semaphore(%arg8 : memref<!tpu.dma_semaphore, #tpu.memory_space<semaphore_mem>>) {add = true}
    %dma_start3A_399 = arith.constant 8 : i32
    %dma_start3A_400 = arith.constant 2 : i32
    %dma_start3A_401 = arith.constant 256 : i32
    %dma_start3A_402 = arith.constant 0 : i32
    %dma_start3A_403 = tpu.memref_slice %arg6[%dma_start3A_401, %dma_start3A_402] : memref<512x16xf32, #tpu.memory_space<vmem>> -> memref<128x16xf32, #tpu.memory_space<vmem>>
    %dma_start3A_404 = arith.constant 0 : i32
    %dma_start3A_405 = tpu.memref_slice %arg5[%dma_start3A_399, %dma_start3A_400, %dma_start3A_404] : memref<9x4x128xi32, #tpu.memory_space<vmem>> -> memref<1x1x128xi32, #tpu.memory_space<vmem>>
    %dma_start3A_406 = tpu.memref_squeeze %dma_start3A_405 : memref<1x1x128xi32, #tpu.memory_space<vmem>> -> memref<128xi32, #tpu.memory_space<vmem>>
    %dma_start3A_407 = arith.constant 0 : i32
    %dma_start3A_408 = arith.constant 0 : i32
    %dma_start3A_409 = tpu.memref_slice %arg3[%dma_start3A_407, %dma_start3A_408] : memref<9252x16xf32, #tpu.memory_space<hbm>> -> memref<9252x16xf32, #tpu.memory_space<hbm>>
    tpu.enqueue_indirect_dma source(%dma_start3A_409 : memref<9252x16xf32, #tpu.memory_space<hbm>>) target(%dma_start3A_403 : memref<128x16xf32, #tpu.memory_space<vmem>>) offsets(%dma_start3A_406 : memref<128xi32, #tpu.memory_space<vmem>>) semaphore(%arg8 : memref<!tpu.dma_semaphore, #tpu.memory_space<semaphore_mem>>) {add = true}
    %dma_start3A_410 = arith.constant 8 : i32
    %dma_start3A_411 = arith.constant 3 : i32
    %dma_start3A_412 = arith.constant 384 : i32
    %dma_start3A_413 = arith.constant 0 : i32
    %dma_start3A_414 = tpu.memref_slice %arg6[%dma_start3A_412, %dma_start3A_413] : memref<512x16xf32, #tpu.memory_space<vmem>> -> memref<128x16xf32, #tpu.memory_space<vmem>>
    %dma_start3A_415 = arith.constant 0 : i32
    %dma_start3A_416 = tpu.memref_slice %arg5[%dma_start3A_410, %dma_start3A_411, %dma_start3A_415] : memref<9x4x128xi32, #tpu.memory_space<vmem>> -> memref<1x1x128xi32, #tpu.memory_space<vmem>>
    %dma_start3A_417 = tpu.memref_squeeze %dma_start3A_416 : memref<1x1x128xi32, #tpu.memory_space<vmem>> -> memref<128xi32, #tpu.memory_space<vmem>>
    %dma_start3A_418 = arith.constant 0 : i32
    %dma_start3A_419 = arith.constant 0 : i32
    %dma_start3A_420 = tpu.memref_slice %arg3[%dma_start3A_418, %dma_start3A_419] : memref<9252x16xf32, #tpu.memory_space<hbm>> -> memref<9252x16xf32, #tpu.memory_space<hbm>>
    tpu.enqueue_indirect_dma source(%dma_start3A_420 : memref<9252x16xf32, #tpu.memory_space<hbm>>) target(%dma_start3A_414 : memref<128x16xf32, #tpu.memory_space<vmem>>) offsets(%dma_start3A_417 : memref<128xi32, #tpu.memory_space<vmem>>) semaphore(%arg8 : memref<!tpu.dma_semaphore, #tpu.memory_space<semaphore_mem>>) {add = true}
    %dma_wait3A_421 = arith.constant 0 : i32
    %dma_wait3A_422 = arith.constant 0 : i32
    %dma_wait3A_423 = arith.constant 0 : i32
    %dma_wait3A_424 = arith.constant 0 : i32
    %dma_wait3A_425 = tpu.memref_slice %arg6[%dma_wait3A_423, %dma_wait3A_424] : memref<512x16xf32, #tpu.memory_space<vmem>> -> memref<128x16xf32, #tpu.memory_space<vmem>>
    %dma_wait3A_426 = arith.constant 0 : i32
    %dma_wait3A_427 = tpu.memref_slice %arg5[%dma_wait3A_421, %dma_wait3A_422, %dma_wait3A_426] : memref<9x4x128xi32, #tpu.memory_space<vmem>> -> memref<1x1x128xi32, #tpu.memory_space<vmem>>
    %dma_wait3A_428 = tpu.memref_squeeze %dma_wait3A_427 : memref<1x1x128xi32, #tpu.memory_space<vmem>> -> memref<128xi32, #tpu.memory_space<vmem>>
    %dma_wait3A_429 = arith.constant 0 : i32
    %dma_wait3A_430 = arith.constant 0 : i32
    %dma_wait3A_431 = tpu.memref_slice %arg3[%dma_wait3A_429, %dma_wait3A_430] : memref<9252x16xf32, #tpu.memory_space<hbm>> -> memref<9252x16xf32, #tpu.memory_space<hbm>>
    tpu.wait_indirect_dma semaphore(%arg8 : memref<!tpu.dma_semaphore, #tpu.memory_space<semaphore_mem>>) src(%dma_wait3A_431 : memref<9252x16xf32, #tpu.memory_space<hbm>>) dst(%dma_wait3A_425 : memref<128x16xf32, #tpu.memory_space<vmem>>)
    %dma_wait3A_432 = arith.constant 0 : i32
    %dma_wait3A_433 = arith.constant 1 : i32
    %dma_wait3A_434 = arith.constant 128 : i32
    %dma_wait3A_435 = arith.constant 0 : i32
    %dma_wait3A_436 = tpu.memref_slice %arg6[%dma_wait3A_434, %dma_wait3A_435] : memref<512x16xf32, #tpu.memory_space<vmem>> -> memref<128x16xf32, #tpu.memory_space<vmem>>
    %dma_wait3A_437 = arith.constant 0 : i32
    %dma_wait3A_438 = tpu.memref_slice %arg5[%dma_wait3A_432, %dma_wait3A_433, %dma_wait3A_437] : memref<9x4x128xi32, #tpu.memory_space<vmem>> -> memref<1x1x128xi32, #tpu.memory_space<vmem>>
    %dma_wait3A_439 = tpu.memref_squeeze %dma_wait3A_438 : memref<1x1x128xi32, #tpu.memory_space<vmem>> -> memref<128xi32, #tpu.memory_space<vmem>>
    %dma_wait3A_440 = arith.constant 0 : i32
    %dma_wait3A_441 = arith.constant 0 : i32
    %dma_wait3A_442 = tpu.memref_slice %arg3[%dma_wait3A_440, %dma_wait3A_441] : memref<9252x16xf32, #tpu.memory_space<hbm>> -> memref<9252x16xf32, #tpu.memory_space<hbm>>
    tpu.wait_indirect_dma semaphore(%arg8 : memref<!tpu.dma_semaphore, #tpu.memory_space<semaphore_mem>>) src(%dma_wait3A_442 : memref<9252x16xf32, #tpu.memory_space<hbm>>) dst(%dma_wait3A_436 : memref<128x16xf32, #tpu.memory_space<vmem>>)
    %dma_wait3A_443 = arith.constant 0 : i32
    %dma_wait3A_444 = arith.constant 2 : i32
    %dma_wait3A_445 = arith.constant 256 : i32
    %dma_wait3A_446 = arith.constant 0 : i32
    %dma_wait3A_447 = tpu.memref_slice %arg6[%dma_wait3A_445, %dma_wait3A_446] : memref<512x16xf32, #tpu.memory_space<vmem>> -> memref<128x16xf32, #tpu.memory_space<vmem>>
    %dma_wait3A_448 = arith.constant 0 : i32
    %dma_wait3A_449 = tpu.memref_slice %arg5[%dma_wait3A_443, %dma_wait3A_444, %dma_wait3A_448] : memref<9x4x128xi32, #tpu.memory_space<vmem>> -> memref<1x1x128xi32, #tpu.memory_space<vmem>>
    %dma_wait3A_450 = tpu.memref_squeeze %dma_wait3A_449 : memref<1x1x128xi32, #tpu.memory_space<vmem>> -> memref<128xi32, #tpu.memory_space<vmem>>
    %dma_wait3A_451 = arith.constant 0 : i32
    %dma_wait3A_452 = arith.constant 0 : i32
    %dma_wait3A_453 = tpu.memref_slice %arg3[%dma_wait3A_451, %dma_wait3A_452] : memref<9252x16xf32, #tpu.memory_space<hbm>> -> memref<9252x16xf32, #tpu.memory_space<hbm>>
    tpu.wait_indirect_dma semaphore(%arg8 : memref<!tpu.dma_semaphore, #tpu.memory_space<semaphore_mem>>) src(%dma_wait3A_453 : memref<9252x16xf32, #tpu.memory_space<hbm>>) dst(%dma_wait3A_447 : memref<128x16xf32, #tpu.memory_space<vmem>>)
    %dma_wait3A_454 = arith.constant 0 : i32
    %dma_wait3A_455 = arith.constant 3 : i32
    %dma_wait3A_456 = arith.constant 384 : i32
    %dma_wait3A_457 = arith.constant 0 : i32
    %dma_wait3A_458 = tpu.memref_slice %arg6[%dma_wait3A_456, %dma_wait3A_457] : memref<512x16xf32, #tpu.memory_space<vmem>> -> memref<128x16xf32, #tpu.memory_space<vmem>>
    %dma_wait3A_459 = arith.constant 0 : i32
    %dma_wait3A_460 = tpu.memref_slice %arg5[%dma_wait3A_454, %dma_wait3A_455, %dma_wait3A_459] : memref<9x4x128xi32, #tpu.memory_space<vmem>> -> memref<1x1x128xi32, #tpu.memory_space<vmem>>
    %dma_wait3A_461 = tpu.memref_squeeze %dma_wait3A_460 : memref<1x1x128xi32, #tpu.memory_space<vmem>> -> memref<128xi32, #tpu.memory_space<vmem>>
    %dma_wait3A_462 = arith.constant 0 : i32
    %dma_wait3A_463 = arith.constant 0 : i32
    %dma_wait3A_464 = tpu.memref_slice %arg3[%dma_wait3A_462, %dma_wait3A_463] : memref<9252x16xf32, #tpu.memory_space<hbm>> -> memref<9252x16xf32, #tpu.memory_space<hbm>>
    tpu.wait_indirect_dma semaphore(%arg8 : memref<!tpu.dma_semaphore, #tpu.memory_space<semaphore_mem>>) src(%dma_wait3A_464 : memref<9252x16xf32, #tpu.memory_space<hbm>>) dst(%dma_wait3A_458 : memref<128x16xf32, #tpu.memory_space<vmem>>)
    %dma_wait3A_465 = arith.constant 1 : i32
    %dma_wait3A_466 = arith.constant 0 : i32
    %dma_wait3A_467 = arith.constant 0 : i32
    %dma_wait3A_468 = arith.constant 0 : i32
    %dma_wait3A_469 = tpu.memref_slice %arg6[%dma_wait3A_467, %dma_wait3A_468] : memref<512x16xf32, #tpu.memory_space<vmem>> -> memref<128x16xf32, #tpu.memory_space<vmem>>
    %dma_wait3A_470 = arith.constant 0 : i32
    %dma_wait3A_471 = tpu.memref_slice %arg5[%dma_wait3A_465, %dma_wait3A_466, %dma_wait3A_470] : memref<9x4x128xi32, #tpu.memory_space<vmem>> -> memref<1x1x128xi32, #tpu.memory_space<vmem>>
    %dma_wait3A_472 = tpu.memref_squeeze %dma_wait3A_471 : memref<1x1x128xi32, #tpu.memory_space<vmem>> -> memref<128xi32, #tpu.memory_space<vmem>>
    %dma_wait3A_473 = arith.constant 0 : i32
    %dma_wait3A_474 = arith.constant 0 : i32
    %dma_wait3A_475 = tpu.memref_slice %arg3[%dma_wait3A_473, %dma_wait3A_474] : memref<9252x16xf32, #tpu.memory_space<hbm>> -> memref<9252x16xf32, #tpu.memory_space<hbm>>
    tpu.wait_indirect_dma semaphore(%arg8 : memref<!tpu.dma_semaphore, #tpu.memory_space<semaphore_mem>>) src(%dma_wait3A_475 : memref<9252x16xf32, #tpu.memory_space<hbm>>) dst(%dma_wait3A_469 : memref<128x16xf32, #tpu.memory_space<vmem>>)
    %dma_wait3A_476 = arith.constant 1 : i32
    %dma_wait3A_477 = arith.constant 1 : i32
    %dma_wait3A_478 = arith.constant 128 : i32
    %dma_wait3A_479 = arith.constant 0 : i32
    %dma_wait3A_480 = tpu.memref_slice %arg6[%dma_wait3A_478, %dma_wait3A_479] : memref<512x16xf32, #tpu.memory_space<vmem>> -> memref<128x16xf32, #tpu.memory_space<vmem>>
    %dma_wait3A_481 = arith.constant 0 : i32
    %dma_wait3A_482 = tpu.memref_slice %arg5[%dma_wait3A_476, %dma_wait3A_477, %dma_wait3A_481] : memref<9x4x128xi32, #tpu.memory_space<vmem>> -> memref<1x1x128xi32, #tpu.memory_space<vmem>>
    %dma_wait3A_483 = tpu.memref_squeeze %dma_wait3A_482 : memref<1x1x128xi32, #tpu.memory_space<vmem>> -> memref<128xi32, #tpu.memory_space<vmem>>
    %dma_wait3A_484 = arith.constant 0 : i32
    %dma_wait3A_485 = arith.constant 0 : i32
    %dma_wait3A_486 = tpu.memref_slice %arg3[%dma_wait3A_484, %dma_wait3A_485] : memref<9252x16xf32, #tpu.memory_space<hbm>> -> memref<9252x16xf32, #tpu.memory_space<hbm>>
    tpu.wait_indirect_dma semaphore(%arg8 : memref<!tpu.dma_semaphore, #tpu.memory_space<semaphore_mem>>) src(%dma_wait3A_486 : memref<9252x16xf32, #tpu.memory_space<hbm>>) dst(%dma_wait3A_480 : memref<128x16xf32, #tpu.memory_space<vmem>>)
    %dma_wait3A_487 = arith.constant 1 : i32
    %dma_wait3A_488 = arith.constant 2 : i32
    %dma_wait3A_489 = arith.constant 256 : i32
    %dma_wait3A_490 = arith.constant 0 : i32
    %dma_wait3A_491 = tpu.memref_slice %arg6[%dma_wait3A_489, %dma_wait3A_490] : memref<512x16xf32, #tpu.memory_space<vmem>> -> memref<128x16xf32, #tpu.memory_space<vmem>>
    %dma_wait3A_492 = arith.constant 0 : i32
    %dma_wait3A_493 = tpu.memref_slice %arg5[%dma_wait3A_487, %dma_wait3A_488, %dma_wait3A_492] : memref<9x4x128xi32, #tpu.memory_space<vmem>> -> memref<1x1x128xi32, #tpu.memory_space<vmem>>
    %dma_wait3A_494 = tpu.memref_squeeze %dma_wait3A_493 : memref<1x1x128xi32, #tpu.memory_space<vmem>> -> memref<128xi32, #tpu.memory_space<vmem>>
    %dma_wait3A_495 = arith.constant 0 : i32
    %dma_wait3A_496 = arith.constant 0 : i32
    %dma_wait3A_497 = tpu.memref_slice %arg3[%dma_wait3A_495, %dma_wait3A_496] : memref<9252x16xf32, #tpu.memory_space<hbm>> -> memref<9252x16xf32, #tpu.memory_space<hbm>>
    tpu.wait_indirect_dma semaphore(%arg8 : memref<!tpu.dma_semaphore, #tpu.memory_space<semaphore_mem>>) src(%dma_wait3A_497 : memref<9252x16xf32, #tpu.memory_space<hbm>>) dst(%dma_wait3A_491 : memref<128x16xf32, #tpu.memory_space<vmem>>)
    %dma_wait3A_498 = arith.constant 1 : i32
    %dma_wait3A_499 = arith.constant 3 : i32
    %dma_wait3A_500 = arith.constant 384 : i32
    %dma_wait3A_501 = arith.constant 0 : i32
    %dma_wait3A_502 = tpu.memref_slice %arg6[%dma_wait3A_500, %dma_wait3A_501] : memref<512x16xf32, #tpu.memory_space<vmem>> -> memref<128x16xf32, #tpu.memory_space<vmem>>
    %dma_wait3A_503 = arith.constant 0 : i32
    %dma_wait3A_504 = tpu.memref_slice %arg5[%dma_wait3A_498, %dma_wait3A_499, %dma_wait3A_503] : memref<9x4x128xi32, #tpu.memory_space<vmem>> -> memref<1x1x128xi32, #tpu.memory_space<vmem>>
    %dma_wait3A_505 = tpu.memref_squeeze %dma_wait3A_504 : memref<1x1x128xi32, #tpu.memory_space<vmem>> -> memref<128xi32, #tpu.memory_space<vmem>>
    %dma_wait3A_506 = arith.constant 0 : i32
    %dma_wait3A_507 = arith.constant 0 : i32
    %dma_wait3A_508 = tpu.memref_slice %arg3[%dma_wait3A_506, %dma_wait3A_507] : memref<9252x16xf32, #tpu.memory_space<hbm>> -> memref<9252x16xf32, #tpu.memory_space<hbm>>
    tpu.wait_indirect_dma semaphore(%arg8 : memref<!tpu.dma_semaphore, #tpu.memory_space<semaphore_mem>>) src(%dma_wait3A_508 : memref<9252x16xf32, #tpu.memory_space<hbm>>) dst(%dma_wait3A_502 : memref<128x16xf32, #tpu.memory_space<vmem>>)
    %dma_wait3A_509 = arith.constant 2 : i32
    %dma_wait3A_510 = arith.constant 0 : i32
    %dma_wait3A_511 = arith.constant 0 : i32
    %dma_wait3A_512 = arith.constant 0 : i32
    %dma_wait3A_513 = tpu.memref_slice %arg6[%dma_wait3A_511, %dma_wait3A_512] : memref<512x16xf32, #tpu.memory_space<vmem>> -> memref<128x16xf32, #tpu.memory_space<vmem>>
    %dma_wait3A_514 = arith.constant 0 : i32
    %dma_wait3A_515 = tpu.memref_slice %arg5[%dma_wait3A_509, %dma_wait3A_510, %dma_wait3A_514] : memref<9x4x128xi32, #tpu.memory_space<vmem>> -> memref<1x1x128xi32, #tpu.memory_space<vmem>>
    %dma_wait3A_516 = tpu.memref_squeeze %dma_wait3A_515 : memref<1x1x128xi32, #tpu.memory_space<vmem>> -> memref<128xi32, #tpu.memory_space<vmem>>
    %dma_wait3A_517 = arith.constant 0 : i32
    %dma_wait3A_518 = arith.constant 0 : i32
    %dma_wait3A_519 = tpu.memref_slice %arg3[%dma_wait3A_517, %dma_wait3A_518] : memref<9252x16xf32, #tpu.memory_space<hbm>> -> memref<9252x16xf32, #tpu.memory_space<hbm>>
    tpu.wait_indirect_dma semaphore(%arg8 : memref<!tpu.dma_semaphore, #tpu.memory_space<semaphore_mem>>) src(%dma_wait3A_519 : memref<9252x16xf32, #tpu.memory_space<hbm>>) dst(%dma_wait3A_513 : memref<128x16xf32, #tpu.memory_space<vmem>>)
    %dma_wait3A_520 = arith.constant 2 : i32
    %dma_wait3A_521 = arith.constant 1 : i32
    %dma_wait3A_522 = arith.constant 128 : i32
    %dma_wait3A_523 = arith.constant 0 : i32
    %dma_wait3A_524 = tpu.memref_slice %arg6[%dma_wait3A_522, %dma_wait3A_523] : memref<512x16xf32, #tpu.memory_space<vmem>> -> memref<128x16xf32, #tpu.memory_space<vmem>>
    %dma_wait3A_525 = arith.constant 0 : i32
    %dma_wait3A_526 = tpu.memref_slice %arg5[%dma_wait3A_520, %dma_wait3A_521, %dma_wait3A_525] : memref<9x4x128xi32, #tpu.memory_space<vmem>> -> memref<1x1x128xi32, #tpu.memory_space<vmem>>
    %dma_wait3A_527 = tpu.memref_squeeze %dma_wait3A_526 : memref<1x1x128xi32, #tpu.memory_space<vmem>> -> memref<128xi32, #tpu.memory_space<vmem>>
    %dma_wait3A_528 = arith.constant 0 : i32
    %dma_wait3A_529 = arith.constant 0 : i32
    %dma_wait3A_530 = tpu.memref_slice %arg3[%dma_wait3A_528, %dma_wait3A_529] : memref<9252x16xf32, #tpu.memory_space<hbm>> -> memref<9252x16xf32, #tpu.memory_space<hbm>>
    tpu.wait_indirect_dma semaphore(%arg8 : memref<!tpu.dma_semaphore, #tpu.memory_space<semaphore_mem>>) src(%dma_wait3A_530 : memref<9252x16xf32, #tpu.memory_space<hbm>>) dst(%dma_wait3A_524 : memref<128x16xf32, #tpu.memory_space<vmem>>)
    %dma_wait3A_531 = arith.constant 2 : i32
    %dma_wait3A_532 = arith.constant 2 : i32
    %dma_wait3A_533 = arith.constant 256 : i32
    %dma_wait3A_534 = arith.constant 0 : i32
    %dma_wait3A_535 = tpu.memref_slice %arg6[%dma_wait3A_533, %dma_wait3A_534] : memref<512x16xf32, #tpu.memory_space<vmem>> -> memref<128x16xf32, #tpu.memory_space<vmem>>
    %dma_wait3A_536 = arith.constant 0 : i32
    %dma_wait3A_537 = tpu.memref_slice %arg5[%dma_wait3A_531, %dma_wait3A_532, %dma_wait3A_536] : memref<9x4x128xi32, #tpu.memory_space<vmem>> -> memref<1x1x128xi32, #tpu.memory_space<vmem>>
    %dma_wait3A_538 = tpu.memref_squeeze %dma_wait3A_537 : memref<1x1x128xi32, #tpu.memory_space<vmem>> -> memref<128xi32, #tpu.memory_space<vmem>>
    %dma_wait3A_539 = arith.constant 0 : i32
    %dma_wait3A_540 = arith.constant 0 : i32
    %dma_wait3A_541 = tpu.memref_slice %arg3[%dma_wait3A_539, %dma_wait3A_540] : memref<9252x16xf32, #tpu.memory_space<hbm>> -> memref<9252x16xf32, #tpu.memory_space<hbm>>
    tpu.wait_indirect_dma semaphore(%arg8 : memref<!tpu.dma_semaphore, #tpu.memory_space<semaphore_mem>>) src(%dma_wait3A_541 : memref<9252x16xf32, #tpu.memory_space<hbm>>) dst(%dma_wait3A_535 : memref<128x16xf32, #tpu.memory_space<vmem>>)
    %dma_wait3A_542 = arith.constant 2 : i32
    %dma_wait3A_543 = arith.constant 3 : i32
    %dma_wait3A_544 = arith.constant 384 : i32
    %dma_wait3A_545 = arith.constant 0 : i32
    %dma_wait3A_546 = tpu.memref_slice %arg6[%dma_wait3A_544, %dma_wait3A_545] : memref<512x16xf32, #tpu.memory_space<vmem>> -> memref<128x16xf32, #tpu.memory_space<vmem>>
    %dma_wait3A_547 = arith.constant 0 : i32
    %dma_wait3A_548 = tpu.memref_slice %arg5[%dma_wait3A_542, %dma_wait3A_543, %dma_wait3A_547] : memref<9x4x128xi32, #tpu.memory_space<vmem>> -> memref<1x1x128xi32, #tpu.memory_space<vmem>>
    %dma_wait3A_549 = tpu.memref_squeeze %dma_wait3A_548 : memref<1x1x128xi32, #tpu.memory_space<vmem>> -> memref<128xi32, #tpu.memory_space<vmem>>
    %dma_wait3A_550 = arith.constant 0 : i32
    %dma_wait3A_551 = arith.constant 0 : i32
    %dma_wait3A_552 = tpu.memref_slice %arg3[%dma_wait3A_550, %dma_wait3A_551] : memref<9252x16xf32, #tpu.memory_space<hbm>> -> memref<9252x16xf32, #tpu.memory_space<hbm>>
    tpu.wait_indirect_dma semaphore(%arg8 : memref<!tpu.dma_semaphore, #tpu.memory_space<semaphore_mem>>) src(%dma_wait3A_552 : memref<9252x16xf32, #tpu.memory_space<hbm>>) dst(%dma_wait3A_546 : memref<128x16xf32, #tpu.memory_space<vmem>>)
    %dma_wait3A_553 = arith.constant 3 : i32
    %dma_wait3A_554 = arith.constant 0 : i32
    %dma_wait3A_555 = arith.constant 0 : i32
    %dma_wait3A_556 = arith.constant 0 : i32
    %dma_wait3A_557 = tpu.memref_slice %arg6[%dma_wait3A_555, %dma_wait3A_556] : memref<512x16xf32, #tpu.memory_space<vmem>> -> memref<128x16xf32, #tpu.memory_space<vmem>>
    %dma_wait3A_558 = arith.constant 0 : i32
    %dma_wait3A_559 = tpu.memref_slice %arg5[%dma_wait3A_553, %dma_wait3A_554, %dma_wait3A_558] : memref<9x4x128xi32, #tpu.memory_space<vmem>> -> memref<1x1x128xi32, #tpu.memory_space<vmem>>
    %dma_wait3A_560 = tpu.memref_squeeze %dma_wait3A_559 : memref<1x1x128xi32, #tpu.memory_space<vmem>> -> memref<128xi32, #tpu.memory_space<vmem>>
    %dma_wait3A_561 = arith.constant 0 : i32
    %dma_wait3A_562 = arith.constant 0 : i32
    %dma_wait3A_563 = tpu.memref_slice %arg3[%dma_wait3A_561, %dma_wait3A_562] : memref<9252x16xf32, #tpu.memory_space<hbm>> -> memref<9252x16xf32, #tpu.memory_space<hbm>>
    tpu.wait_indirect_dma semaphore(%arg8 : memref<!tpu.dma_semaphore, #tpu.memory_space<semaphore_mem>>) src(%dma_wait3A_563 : memref<9252x16xf32, #tpu.memory_space<hbm>>) dst(%dma_wait3A_557 : memref<128x16xf32, #tpu.memory_space<vmem>>)
    %dma_wait3A_564 = arith.constant 3 : i32
    %dma_wait3A_565 = arith.constant 1 : i32
    %dma_wait3A_566 = arith.constant 128 : i32
    %dma_wait3A_567 = arith.constant 0 : i32
    %dma_wait3A_568 = tpu.memref_slice %arg6[%dma_wait3A_566, %dma_wait3A_567] : memref<512x16xf32, #tpu.memory_space<vmem>> -> memref<128x16xf32, #tpu.memory_space<vmem>>
    %dma_wait3A_569 = arith.constant 0 : i32
    %dma_wait3A_570 = tpu.memref_slice %arg5[%dma_wait3A_564, %dma_wait3A_565, %dma_wait3A_569] : memref<9x4x128xi32, #tpu.memory_space<vmem>> -> memref<1x1x128xi32, #tpu.memory_space<vmem>>
    %dma_wait3A_571 = tpu.memref_squeeze %dma_wait3A_570 : memref<1x1x128xi32, #tpu.memory_space<vmem>> -> memref<128xi32, #tpu.memory_space<vmem>>
    %dma_wait3A_572 = arith.constant 0 : i32
    %dma_wait3A_573 = arith.constant 0 : i32
    %dma_wait3A_574 = tpu.memref_slice %arg3[%dma_wait3A_572, %dma_wait3A_573] : memref<9252x16xf32, #tpu.memory_space<hbm>> -> memref<9252x16xf32, #tpu.memory_space<hbm>>
    tpu.wait_indirect_dma semaphore(%arg8 : memref<!tpu.dma_semaphore, #tpu.memory_space<semaphore_mem>>) src(%dma_wait3A_574 : memref<9252x16xf32, #tpu.memory_space<hbm>>) dst(%dma_wait3A_568 : memref<128x16xf32, #tpu.memory_space<vmem>>)
    %dma_wait3A_575 = arith.constant 3 : i32
    %dma_wait3A_576 = arith.constant 2 : i32
    %dma_wait3A_577 = arith.constant 256 : i32
    %dma_wait3A_578 = arith.constant 0 : i32
    %dma_wait3A_579 = tpu.memref_slice %arg6[%dma_wait3A_577, %dma_wait3A_578] : memref<512x16xf32, #tpu.memory_space<vmem>> -> memref<128x16xf32, #tpu.memory_space<vmem>>
    %dma_wait3A_580 = arith.constant 0 : i32
    %dma_wait3A_581 = tpu.memref_slice %arg5[%dma_wait3A_575, %dma_wait3A_576, %dma_wait3A_580] : memref<9x4x128xi32, #tpu.memory_space<vmem>> -> memref<1x1x128xi32, #tpu.memory_space<vmem>>
    %dma_wait3A_582 = tpu.memref_squeeze %dma_wait3A_581 : memref<1x1x128xi32, #tpu.memory_space<vmem>> -> memref<128xi32, #tpu.memory_space<vmem>>
    %dma_wait3A_583 = arith.constant 0 : i32
    %dma_wait3A_584 = arith.constant 0 : i32
    %dma_wait3A_585 = tpu.memref_slice %arg3[%dma_wait3A_583, %dma_wait3A_584] : memref<9252x16xf32, #tpu.memory_space<hbm>> -> memref<9252x16xf32, #tpu.memory_space<hbm>>
    tpu.wait_indirect_dma semaphore(%arg8 : memref<!tpu.dma_semaphore, #tpu.memory_space<semaphore_mem>>) src(%dma_wait3A_585 : memref<9252x16xf32, #tpu.memory_space<hbm>>) dst(%dma_wait3A_579 : memref<128x16xf32, #tpu.memory_space<vmem>>)
    %dma_wait3A_586 = arith.constant 3 : i32
    %dma_wait3A_587 = arith.constant 3 : i32
    %dma_wait3A_588 = arith.constant 384 : i32
    %dma_wait3A_589 = arith.constant 0 : i32
    %dma_wait3A_590 = tpu.memref_slice %arg6[%dma_wait3A_588, %dma_wait3A_589] : memref<512x16xf32, #tpu.memory_space<vmem>> -> memref<128x16xf32, #tpu.memory_space<vmem>>
    %dma_wait3A_591 = arith.constant 0 : i32
    %dma_wait3A_592 = tpu.memref_slice %arg5[%dma_wait3A_586, %dma_wait3A_587, %dma_wait3A_591] : memref<9x4x128xi32, #tpu.memory_space<vmem>> -> memref<1x1x128xi32, #tpu.memory_space<vmem>>
    %dma_wait3A_593 = tpu.memref_squeeze %dma_wait3A_592 : memref<1x1x128xi32, #tpu.memory_space<vmem>> -> memref<128xi32, #tpu.memory_space<vmem>>
    %dma_wait3A_594 = arith.constant 0 : i32
    %dma_wait3A_595 = arith.constant 0 : i32
    %dma_wait3A_596 = tpu.memref_slice %arg3[%dma_wait3A_594, %dma_wait3A_595] : memref<9252x16xf32, #tpu.memory_space<hbm>> -> memref<9252x16xf32, #tpu.memory_space<hbm>>
    tpu.wait_indirect_dma semaphore(%arg8 : memref<!tpu.dma_semaphore, #tpu.memory_space<semaphore_mem>>) src(%dma_wait3A_596 : memref<9252x16xf32, #tpu.memory_space<hbm>>) dst(%dma_wait3A_590 : memref<128x16xf32, #tpu.memory_space<vmem>>)
    %dma_wait3A_597 = arith.constant 4 : i32
    %dma_wait3A_598 = arith.constant 0 : i32
    %dma_wait3A_599 = arith.constant 0 : i32
    %dma_wait3A_600 = arith.constant 0 : i32
    %dma_wait3A_601 = tpu.memref_slice %arg6[%dma_wait3A_599, %dma_wait3A_600] : memref<512x16xf32, #tpu.memory_space<vmem>> -> memref<128x16xf32, #tpu.memory_space<vmem>>
    %dma_wait3A_602 = arith.constant 0 : i32
    %dma_wait3A_603 = tpu.memref_slice %arg5[%dma_wait3A_597, %dma_wait3A_598, %dma_wait3A_602] : memref<9x4x128xi32, #tpu.memory_space<vmem>> -> memref<1x1x128xi32, #tpu.memory_space<vmem>>
    %dma_wait3A_604 = tpu.memref_squeeze %dma_wait3A_603 : memref<1x1x128xi32, #tpu.memory_space<vmem>> -> memref<128xi32, #tpu.memory_space<vmem>>
    %dma_wait3A_605 = arith.constant 0 : i32
    %dma_wait3A_606 = arith.constant 0 : i32
    %dma_wait3A_607 = tpu.memref_slice %arg3[%dma_wait3A_605, %dma_wait3A_606] : memref<9252x16xf32, #tpu.memory_space<hbm>> -> memref<9252x16xf32, #tpu.memory_space<hbm>>
    tpu.wait_indirect_dma semaphore(%arg8 : memref<!tpu.dma_semaphore, #tpu.memory_space<semaphore_mem>>) src(%dma_wait3A_607 : memref<9252x16xf32, #tpu.memory_space<hbm>>) dst(%dma_wait3A_601 : memref<128x16xf32, #tpu.memory_space<vmem>>)
    %dma_wait3A_608 = arith.constant 4 : i32
    %dma_wait3A_609 = arith.constant 1 : i32
    %dma_wait3A_610 = arith.constant 128 : i32
    %dma_wait3A_611 = arith.constant 0 : i32
    %dma_wait3A_612 = tpu.memref_slice %arg6[%dma_wait3A_610, %dma_wait3A_611] : memref<512x16xf32, #tpu.memory_space<vmem>> -> memref<128x16xf32, #tpu.memory_space<vmem>>
    %dma_wait3A_613 = arith.constant 0 : i32
    %dma_wait3A_614 = tpu.memref_slice %arg5[%dma_wait3A_608, %dma_wait3A_609, %dma_wait3A_613] : memref<9x4x128xi32, #tpu.memory_space<vmem>> -> memref<1x1x128xi32, #tpu.memory_space<vmem>>
    %dma_wait3A_615 = tpu.memref_squeeze %dma_wait3A_614 : memref<1x1x128xi32, #tpu.memory_space<vmem>> -> memref<128xi32, #tpu.memory_space<vmem>>
    %dma_wait3A_616 = arith.constant 0 : i32
    %dma_wait3A_617 = arith.constant 0 : i32
    %dma_wait3A_618 = tpu.memref_slice %arg3[%dma_wait3A_616, %dma_wait3A_617] : memref<9252x16xf32, #tpu.memory_space<hbm>> -> memref<9252x16xf32, #tpu.memory_space<hbm>>
    tpu.wait_indirect_dma semaphore(%arg8 : memref<!tpu.dma_semaphore, #tpu.memory_space<semaphore_mem>>) src(%dma_wait3A_618 : memref<9252x16xf32, #tpu.memory_space<hbm>>) dst(%dma_wait3A_612 : memref<128x16xf32, #tpu.memory_space<vmem>>)
    %dma_wait3A_619 = arith.constant 4 : i32
    %dma_wait3A_620 = arith.constant 2 : i32
    %dma_wait3A_621 = arith.constant 256 : i32
    %dma_wait3A_622 = arith.constant 0 : i32
    %dma_wait3A_623 = tpu.memref_slice %arg6[%dma_wait3A_621, %dma_wait3A_622] : memref<512x16xf32, #tpu.memory_space<vmem>> -> memref<128x16xf32, #tpu.memory_space<vmem>>
    %dma_wait3A_624 = arith.constant 0 : i32
    %dma_wait3A_625 = tpu.memref_slice %arg5[%dma_wait3A_619, %dma_wait3A_620, %dma_wait3A_624] : memref<9x4x128xi32, #tpu.memory_space<vmem>> -> memref<1x1x128xi32, #tpu.memory_space<vmem>>
    %dma_wait3A_626 = tpu.memref_squeeze %dma_wait3A_625 : memref<1x1x128xi32, #tpu.memory_space<vmem>> -> memref<128xi32, #tpu.memory_space<vmem>>
    %dma_wait3A_627 = arith.constant 0 : i32
    %dma_wait3A_628 = arith.constant 0 : i32
    %dma_wait3A_629 = tpu.memref_slice %arg3[%dma_wait3A_627, %dma_wait3A_628] : memref<9252x16xf32, #tpu.memory_space<hbm>> -> memref<9252x16xf32, #tpu.memory_space<hbm>>
    tpu.wait_indirect_dma semaphore(%arg8 : memref<!tpu.dma_semaphore, #tpu.memory_space<semaphore_mem>>) src(%dma_wait3A_629 : memref<9252x16xf32, #tpu.memory_space<hbm>>) dst(%dma_wait3A_623 : memref<128x16xf32, #tpu.memory_space<vmem>>)
    %dma_wait3A_630 = arith.constant 4 : i32
    %dma_wait3A_631 = arith.constant 3 : i32
    %dma_wait3A_632 = arith.constant 384 : i32
    %dma_wait3A_633 = arith.constant 0 : i32
    %dma_wait3A_634 = tpu.memref_slice %arg6[%dma_wait3A_632, %dma_wait3A_633] : memref<512x16xf32, #tpu.memory_space<vmem>> -> memref<128x16xf32, #tpu.memory_space<vmem>>
    %dma_wait3A_635 = arith.constant 0 : i32
    %dma_wait3A_636 = tpu.memref_slice %arg5[%dma_wait3A_630, %dma_wait3A_631, %dma_wait3A_635] : memref<9x4x128xi32, #tpu.memory_space<vmem>> -> memref<1x1x128xi32, #tpu.memory_space<vmem>>
    %dma_wait3A_637 = tpu.memref_squeeze %dma_wait3A_636 : memref<1x1x128xi32, #tpu.memory_space<vmem>> -> memref<128xi32, #tpu.memory_space<vmem>>
    %dma_wait3A_638 = arith.constant 0 : i32
    %dma_wait3A_639 = arith.constant 0 : i32
    %dma_wait3A_640 = tpu.memref_slice %arg3[%dma_wait3A_638, %dma_wait3A_639] : memref<9252x16xf32, #tpu.memory_space<hbm>> -> memref<9252x16xf32, #tpu.memory_space<hbm>>
    tpu.wait_indirect_dma semaphore(%arg8 : memref<!tpu.dma_semaphore, #tpu.memory_space<semaphore_mem>>) src(%dma_wait3A_640 : memref<9252x16xf32, #tpu.memory_space<hbm>>) dst(%dma_wait3A_634 : memref<128x16xf32, #tpu.memory_space<vmem>>)
    %dma_wait3A_641 = arith.constant 5 : i32
    %dma_wait3A_642 = arith.constant 0 : i32
    %dma_wait3A_643 = arith.constant 0 : i32
    %dma_wait3A_644 = arith.constant 0 : i32
    %dma_wait3A_645 = tpu.memref_slice %arg6[%dma_wait3A_643, %dma_wait3A_644] : memref<512x16xf32, #tpu.memory_space<vmem>> -> memref<128x16xf32, #tpu.memory_space<vmem>>
    %dma_wait3A_646 = arith.constant 0 : i32
    %dma_wait3A_647 = tpu.memref_slice %arg5[%dma_wait3A_641, %dma_wait3A_642, %dma_wait3A_646] : memref<9x4x128xi32, #tpu.memory_space<vmem>> -> memref<1x1x128xi32, #tpu.memory_space<vmem>>
    %dma_wait3A_648 = tpu.memref_squeeze %dma_wait3A_647 : memref<1x1x128xi32, #tpu.memory_space<vmem>> -> memref<128xi32, #tpu.memory_space<vmem>>
    %dma_wait3A_649 = arith.constant 0 : i32
    %dma_wait3A_650 = arith.constant 0 : i32
    %dma_wait3A_651 = tpu.memref_slice %arg3[%dma_wait3A_649, %dma_wait3A_650] : memref<9252x16xf32, #tpu.memory_space<hbm>> -> memref<9252x16xf32, #tpu.memory_space<hbm>>
    tpu.wait_indirect_dma semaphore(%arg8 : memref<!tpu.dma_semaphore, #tpu.memory_space<semaphore_mem>>) src(%dma_wait3A_651 : memref<9252x16xf32, #tpu.memory_space<hbm>>) dst(%dma_wait3A_645 : memref<128x16xf32, #tpu.memory_space<vmem>>)
    %dma_wait3A_652 = arith.constant 5 : i32
    %dma_wait3A_653 = arith.constant 1 : i32
    %dma_wait3A_654 = arith.constant 128 : i32
    %dma_wait3A_655 = arith.constant 0 : i32
    %dma_wait3A_656 = tpu.memref_slice %arg6[%dma_wait3A_654, %dma_wait3A_655] : memref<512x16xf32, #tpu.memory_space<vmem>> -> memref<128x16xf32, #tpu.memory_space<vmem>>
    %dma_wait3A_657 = arith.constant 0 : i32
    %dma_wait3A_658 = tpu.memref_slice %arg5[%dma_wait3A_652, %dma_wait3A_653, %dma_wait3A_657] : memref<9x4x128xi32, #tpu.memory_space<vmem>> -> memref<1x1x128xi32, #tpu.memory_space<vmem>>
    %dma_wait3A_659 = tpu.memref_squeeze %dma_wait3A_658 : memref<1x1x128xi32, #tpu.memory_space<vmem>> -> memref<128xi32, #tpu.memory_space<vmem>>
    %dma_wait3A_660 = arith.constant 0 : i32
    %dma_wait3A_661 = arith.constant 0 : i32
    %dma_wait3A_662 = tpu.memref_slice %arg3[%dma_wait3A_660, %dma_wait3A_661] : memref<9252x16xf32, #tpu.memory_space<hbm>> -> memref<9252x16xf32, #tpu.memory_space<hbm>>
    tpu.wait_indirect_dma semaphore(%arg8 : memref<!tpu.dma_semaphore, #tpu.memory_space<semaphore_mem>>) src(%dma_wait3A_662 : memref<9252x16xf32, #tpu.memory_space<hbm>>) dst(%dma_wait3A_656 : memref<128x16xf32, #tpu.memory_space<vmem>>)
    %dma_wait3A_663 = arith.constant 5 : i32
    %dma_wait3A_664 = arith.constant 2 : i32
    %dma_wait3A_665 = arith.constant 256 : i32
    %dma_wait3A_666 = arith.constant 0 : i32
    %dma_wait3A_667 = tpu.memref_slice %arg6[%dma_wait3A_665, %dma_wait3A_666] : memref<512x16xf32, #tpu.memory_space<vmem>> -> memref<128x16xf32, #tpu.memory_space<vmem>>
    %dma_wait3A_668 = arith.constant 0 : i32
    %dma_wait3A_669 = tpu.memref_slice %arg5[%dma_wait3A_663, %dma_wait3A_664, %dma_wait3A_668] : memref<9x4x128xi32, #tpu.memory_space<vmem>> -> memref<1x1x128xi32, #tpu.memory_space<vmem>>
    %dma_wait3A_670 = tpu.memref_squeeze %dma_wait3A_669 : memref<1x1x128xi32, #tpu.memory_space<vmem>> -> memref<128xi32, #tpu.memory_space<vmem>>
    %dma_wait3A_671 = arith.constant 0 : i32
    %dma_wait3A_672 = arith.constant 0 : i32
    %dma_wait3A_673 = tpu.memref_slice %arg3[%dma_wait3A_671, %dma_wait3A_672] : memref<9252x16xf32, #tpu.memory_space<hbm>> -> memref<9252x16xf32, #tpu.memory_space<hbm>>
    tpu.wait_indirect_dma semaphore(%arg8 : memref<!tpu.dma_semaphore, #tpu.memory_space<semaphore_mem>>) src(%dma_wait3A_673 : memref<9252x16xf32, #tpu.memory_space<hbm>>) dst(%dma_wait3A_667 : memref<128x16xf32, #tpu.memory_space<vmem>>)
    %dma_wait3A_674 = arith.constant 5 : i32
    %dma_wait3A_675 = arith.constant 3 : i32
    %dma_wait3A_676 = arith.constant 384 : i32
    %dma_wait3A_677 = arith.constant 0 : i32
    %dma_wait3A_678 = tpu.memref_slice %arg6[%dma_wait3A_676, %dma_wait3A_677] : memref<512x16xf32, #tpu.memory_space<vmem>> -> memref<128x16xf32, #tpu.memory_space<vmem>>
    %dma_wait3A_679 = arith.constant 0 : i32
    %dma_wait3A_680 = tpu.memref_slice %arg5[%dma_wait3A_674, %dma_wait3A_675, %dma_wait3A_679] : memref<9x4x128xi32, #tpu.memory_space<vmem>> -> memref<1x1x128xi32, #tpu.memory_space<vmem>>
    %dma_wait3A_681 = tpu.memref_squeeze %dma_wait3A_680 : memref<1x1x128xi32, #tpu.memory_space<vmem>> -> memref<128xi32, #tpu.memory_space<vmem>>
    %dma_wait3A_682 = arith.constant 0 : i32
    %dma_wait3A_683 = arith.constant 0 : i32
    %dma_wait3A_684 = tpu.memref_slice %arg3[%dma_wait3A_682, %dma_wait3A_683] : memref<9252x16xf32, #tpu.memory_space<hbm>> -> memref<9252x16xf32, #tpu.memory_space<hbm>>
    tpu.wait_indirect_dma semaphore(%arg8 : memref<!tpu.dma_semaphore, #tpu.memory_space<semaphore_mem>>) src(%dma_wait3A_684 : memref<9252x16xf32, #tpu.memory_space<hbm>>) dst(%dma_wait3A_678 : memref<128x16xf32, #tpu.memory_space<vmem>>)
    %dma_wait3A_685 = arith.constant 6 : i32
    %dma_wait3A_686 = arith.constant 0 : i32
    %dma_wait3A_687 = arith.constant 0 : i32
    %dma_wait3A_688 = arith.constant 0 : i32
    %dma_wait3A_689 = tpu.memref_slice %arg6[%dma_wait3A_687, %dma_wait3A_688] : memref<512x16xf32, #tpu.memory_space<vmem>> -> memref<128x16xf32, #tpu.memory_space<vmem>>
    %dma_wait3A_690 = arith.constant 0 : i32
    %dma_wait3A_691 = tpu.memref_slice %arg5[%dma_wait3A_685, %dma_wait3A_686, %dma_wait3A_690] : memref<9x4x128xi32, #tpu.memory_space<vmem>> -> memref<1x1x128xi32, #tpu.memory_space<vmem>>
    %dma_wait3A_692 = tpu.memref_squeeze %dma_wait3A_691 : memref<1x1x128xi32, #tpu.memory_space<vmem>> -> memref<128xi32, #tpu.memory_space<vmem>>
    %dma_wait3A_693 = arith.constant 0 : i32
    %dma_wait3A_694 = arith.constant 0 : i32
    %dma_wait3A_695 = tpu.memref_slice %arg3[%dma_wait3A_693, %dma_wait3A_694] : memref<9252x16xf32, #tpu.memory_space<hbm>> -> memref<9252x16xf32, #tpu.memory_space<hbm>>
    tpu.wait_indirect_dma semaphore(%arg8 : memref<!tpu.dma_semaphore, #tpu.memory_space<semaphore_mem>>) src(%dma_wait3A_695 : memref<9252x16xf32, #tpu.memory_space<hbm>>) dst(%dma_wait3A_689 : memref<128x16xf32, #tpu.memory_space<vmem>>)
    %dma_wait3A_696 = arith.constant 6 : i32
    %dma_wait3A_697 = arith.constant 1 : i32
    %dma_wait3A_698 = arith.constant 128 : i32
    %dma_wait3A_699 = arith.constant 0 : i32
    %dma_wait3A_700 = tpu.memref_slice %arg6[%dma_wait3A_698, %dma_wait3A_699] : memref<512x16xf32, #tpu.memory_space<vmem>> -> memref<128x16xf32, #tpu.memory_space<vmem>>
    %dma_wait3A_701 = arith.constant 0 : i32
    %dma_wait3A_702 = tpu.memref_slice %arg5[%dma_wait3A_696, %dma_wait3A_697, %dma_wait3A_701] : memref<9x4x128xi32, #tpu.memory_space<vmem>> -> memref<1x1x128xi32, #tpu.memory_space<vmem>>
    %dma_wait3A_703 = tpu.memref_squeeze %dma_wait3A_702 : memref<1x1x128xi32, #tpu.memory_space<vmem>> -> memref<128xi32, #tpu.memory_space<vmem>>
    %dma_wait3A_704 = arith.constant 0 : i32
    %dma_wait3A_705 = arith.constant 0 : i32
    %dma_wait3A_706 = tpu.memref_slice %arg3[%dma_wait3A_704, %dma_wait3A_705] : memref<9252x16xf32, #tpu.memory_space<hbm>> -> memref<9252x16xf32, #tpu.memory_space<hbm>>
    tpu.wait_indirect_dma semaphore(%arg8 : memref<!tpu.dma_semaphore, #tpu.memory_space<semaphore_mem>>) src(%dma_wait3A_706 : memref<9252x16xf32, #tpu.memory_space<hbm>>) dst(%dma_wait3A_700 : memref<128x16xf32, #tpu.memory_space<vmem>>)
    %dma_wait3A_707 = arith.constant 6 : i32
    %dma_wait3A_708 = arith.constant 2 : i32
    %dma_wait3A_709 = arith.constant 256 : i32
    %dma_wait3A_710 = arith.constant 0 : i32
    %dma_wait3A_711 = tpu.memref_slice %arg6[%dma_wait3A_709, %dma_wait3A_710] : memref<512x16xf32, #tpu.memory_space<vmem>> -> memref<128x16xf32, #tpu.memory_space<vmem>>
    %dma_wait3A_712 = arith.constant 0 : i32
    %dma_wait3A_713 = tpu.memref_slice %arg5[%dma_wait3A_707, %dma_wait3A_708, %dma_wait3A_712] : memref<9x4x128xi32, #tpu.memory_space<vmem>> -> memref<1x1x128xi32, #tpu.memory_space<vmem>>
    %dma_wait3A_714 = tpu.memref_squeeze %dma_wait3A_713 : memref<1x1x128xi32, #tpu.memory_space<vmem>> -> memref<128xi32, #tpu.memory_space<vmem>>
    %dma_wait3A_715 = arith.constant 0 : i32
    %dma_wait3A_716 = arith.constant 0 : i32
    %dma_wait3A_717 = tpu.memref_slice %arg3[%dma_wait3A_715, %dma_wait3A_716] : memref<9252x16xf32, #tpu.memory_space<hbm>> -> memref<9252x16xf32, #tpu.memory_space<hbm>>
    tpu.wait_indirect_dma semaphore(%arg8 : memref<!tpu.dma_semaphore, #tpu.memory_space<semaphore_mem>>) src(%dma_wait3A_717 : memref<9252x16xf32, #tpu.memory_space<hbm>>) dst(%dma_wait3A_711 : memref<128x16xf32, #tpu.memory_space<vmem>>)
    %dma_wait3A_718 = arith.constant 6 : i32
    %dma_wait3A_719 = arith.constant 3 : i32
    %dma_wait3A_720 = arith.constant 384 : i32
    %dma_wait3A_721 = arith.constant 0 : i32
    %dma_wait3A_722 = tpu.memref_slice %arg6[%dma_wait3A_720, %dma_wait3A_721] : memref<512x16xf32, #tpu.memory_space<vmem>> -> memref<128x16xf32, #tpu.memory_space<vmem>>
    %dma_wait3A_723 = arith.constant 0 : i32
    %dma_wait3A_724 = tpu.memref_slice %arg5[%dma_wait3A_718, %dma_wait3A_719, %dma_wait3A_723] : memref<9x4x128xi32, #tpu.memory_space<vmem>> -> memref<1x1x128xi32, #tpu.memory_space<vmem>>
    %dma_wait3A_725 = tpu.memref_squeeze %dma_wait3A_724 : memref<1x1x128xi32, #tpu.memory_space<vmem>> -> memref<128xi32, #tpu.memory_space<vmem>>
    %dma_wait3A_726 = arith.constant 0 : i32
    %dma_wait3A_727 = arith.constant 0 : i32
    %dma_wait3A_728 = tpu.memref_slice %arg3[%dma_wait3A_726, %dma_wait3A_727] : memref<9252x16xf32, #tpu.memory_space<hbm>> -> memref<9252x16xf32, #tpu.memory_space<hbm>>
    tpu.wait_indirect_dma semaphore(%arg8 : memref<!tpu.dma_semaphore, #tpu.memory_space<semaphore_mem>>) src(%dma_wait3A_728 : memref<9252x16xf32, #tpu.memory_space<hbm>>) dst(%dma_wait3A_722 : memref<128x16xf32, #tpu.memory_space<vmem>>)
    %dma_wait3A_729 = arith.constant 7 : i32
    %dma_wait3A_730 = arith.constant 0 : i32
    %dma_wait3A_731 = arith.constant 0 : i32
    %dma_wait3A_732 = arith.constant 0 : i32
    %dma_wait3A_733 = tpu.memref_slice %arg6[%dma_wait3A_731, %dma_wait3A_732] : memref<512x16xf32, #tpu.memory_space<vmem>> -> memref<128x16xf32, #tpu.memory_space<vmem>>
    %dma_wait3A_734 = arith.constant 0 : i32
    %dma_wait3A_735 = tpu.memref_slice %arg5[%dma_wait3A_729, %dma_wait3A_730, %dma_wait3A_734] : memref<9x4x128xi32, #tpu.memory_space<vmem>> -> memref<1x1x128xi32, #tpu.memory_space<vmem>>
    %dma_wait3A_736 = tpu.memref_squeeze %dma_wait3A_735 : memref<1x1x128xi32, #tpu.memory_space<vmem>> -> memref<128xi32, #tpu.memory_space<vmem>>
    %dma_wait3A_737 = arith.constant 0 : i32
    %dma_wait3A_738 = arith.constant 0 : i32
    %dma_wait3A_739 = tpu.memref_slice %arg3[%dma_wait3A_737, %dma_wait3A_738] : memref<9252x16xf32, #tpu.memory_space<hbm>> -> memref<9252x16xf32, #tpu.memory_space<hbm>>
    tpu.wait_indirect_dma semaphore(%arg8 : memref<!tpu.dma_semaphore, #tpu.memory_space<semaphore_mem>>) src(%dma_wait3A_739 : memref<9252x16xf32, #tpu.memory_space<hbm>>) dst(%dma_wait3A_733 : memref<128x16xf32, #tpu.memory_space<vmem>>)
    %dma_wait3A_740 = arith.constant 7 : i32
    %dma_wait3A_741 = arith.constant 1 : i32
    %dma_wait3A_742 = arith.constant 128 : i32
    %dma_wait3A_743 = arith.constant 0 : i32
    %dma_wait3A_744 = tpu.memref_slice %arg6[%dma_wait3A_742, %dma_wait3A_743] : memref<512x16xf32, #tpu.memory_space<vmem>> -> memref<128x16xf32, #tpu.memory_space<vmem>>
    %dma_wait3A_745 = arith.constant 0 : i32
    %dma_wait3A_746 = tpu.memref_slice %arg5[%dma_wait3A_740, %dma_wait3A_741, %dma_wait3A_745] : memref<9x4x128xi32, #tpu.memory_space<vmem>> -> memref<1x1x128xi32, #tpu.memory_space<vmem>>
    %dma_wait3A_747 = tpu.memref_squeeze %dma_wait3A_746 : memref<1x1x128xi32, #tpu.memory_space<vmem>> -> memref<128xi32, #tpu.memory_space<vmem>>
    %dma_wait3A_748 = arith.constant 0 : i32
    %dma_wait3A_749 = arith.constant 0 : i32
    %dma_wait3A_750 = tpu.memref_slice %arg3[%dma_wait3A_748, %dma_wait3A_749] : memref<9252x16xf32, #tpu.memory_space<hbm>> -> memref<9252x16xf32, #tpu.memory_space<hbm>>
    tpu.wait_indirect_dma semaphore(%arg8 : memref<!tpu.dma_semaphore, #tpu.memory_space<semaphore_mem>>) src(%dma_wait3A_750 : memref<9252x16xf32, #tpu.memory_space<hbm>>) dst(%dma_wait3A_744 : memref<128x16xf32, #tpu.memory_space<vmem>>)
    %dma_wait3A_751 = arith.constant 7 : i32
    %dma_wait3A_752 = arith.constant 2 : i32
    %dma_wait3A_753 = arith.constant 256 : i32
    %dma_wait3A_754 = arith.constant 0 : i32
    %dma_wait3A_755 = tpu.memref_slice %arg6[%dma_wait3A_753, %dma_wait3A_754] : memref<512x16xf32, #tpu.memory_space<vmem>> -> memref<128x16xf32, #tpu.memory_space<vmem>>
    %dma_wait3A_756 = arith.constant 0 : i32
    %dma_wait3A_757 = tpu.memref_slice %arg5[%dma_wait3A_751, %dma_wait3A_752, %dma_wait3A_756] : memref<9x4x128xi32, #tpu.memory_space<vmem>> -> memref<1x1x128xi32, #tpu.memory_space<vmem>>
    %dma_wait3A_758 = tpu.memref_squeeze %dma_wait3A_757 : memref<1x1x128xi32, #tpu.memory_space<vmem>> -> memref<128xi32, #tpu.memory_space<vmem>>
    %dma_wait3A_759 = arith.constant 0 : i32
    %dma_wait3A_760 = arith.constant 0 : i32
    %dma_wait3A_761 = tpu.memref_slice %arg3[%dma_wait3A_759, %dma_wait3A_760] : memref<9252x16xf32, #tpu.memory_space<hbm>> -> memref<9252x16xf32, #tpu.memory_space<hbm>>
    tpu.wait_indirect_dma semaphore(%arg8 : memref<!tpu.dma_semaphore, #tpu.memory_space<semaphore_mem>>) src(%dma_wait3A_761 : memref<9252x16xf32, #tpu.memory_space<hbm>>) dst(%dma_wait3A_755 : memref<128x16xf32, #tpu.memory_space<vmem>>)
    %dma_wait3A_762 = arith.constant 7 : i32
    %dma_wait3A_763 = arith.constant 3 : i32
    %dma_wait3A_764 = arith.constant 384 : i32
    %dma_wait3A_765 = arith.constant 0 : i32
    %dma_wait3A_766 = tpu.memref_slice %arg6[%dma_wait3A_764, %dma_wait3A_765] : memref<512x16xf32, #tpu.memory_space<vmem>> -> memref<128x16xf32, #tpu.memory_space<vmem>>
    %dma_wait3A_767 = arith.constant 0 : i32
    %dma_wait3A_768 = tpu.memref_slice %arg5[%dma_wait3A_762, %dma_wait3A_763, %dma_wait3A_767] : memref<9x4x128xi32, #tpu.memory_space<vmem>> -> memref<1x1x128xi32, #tpu.memory_space<vmem>>
    %dma_wait3A_769 = tpu.memref_squeeze %dma_wait3A_768 : memref<1x1x128xi32, #tpu.memory_space<vmem>> -> memref<128xi32, #tpu.memory_space<vmem>>
    %dma_wait3A_770 = arith.constant 0 : i32
    %dma_wait3A_771 = arith.constant 0 : i32
    %dma_wait3A_772 = tpu.memref_slice %arg3[%dma_wait3A_770, %dma_wait3A_771] : memref<9252x16xf32, #tpu.memory_space<hbm>> -> memref<9252x16xf32, #tpu.memory_space<hbm>>
    tpu.wait_indirect_dma semaphore(%arg8 : memref<!tpu.dma_semaphore, #tpu.memory_space<semaphore_mem>>) src(%dma_wait3A_772 : memref<9252x16xf32, #tpu.memory_space<hbm>>) dst(%dma_wait3A_766 : memref<128x16xf32, #tpu.memory_space<vmem>>)
    %dma_wait3A_773 = arith.constant 8 : i32
    %dma_wait3A_774 = arith.constant 0 : i32
    %dma_wait3A_775 = arith.constant 0 : i32
    %dma_wait3A_776 = arith.constant 0 : i32
    %dma_wait3A_777 = tpu.memref_slice %arg6[%dma_wait3A_775, %dma_wait3A_776] : memref<512x16xf32, #tpu.memory_space<vmem>> -> memref<128x16xf32, #tpu.memory_space<vmem>>
    %dma_wait3A_778 = arith.constant 0 : i32
    %dma_wait3A_779 = tpu.memref_slice %arg5[%dma_wait3A_773, %dma_wait3A_774, %dma_wait3A_778] : memref<9x4x128xi32, #tpu.memory_space<vmem>> -> memref<1x1x128xi32, #tpu.memory_space<vmem>>
    %dma_wait3A_780 = tpu.memref_squeeze %dma_wait3A_779 : memref<1x1x128xi32, #tpu.memory_space<vmem>> -> memref<128xi32, #tpu.memory_space<vmem>>
    %dma_wait3A_781 = arith.constant 0 : i32
    %dma_wait3A_782 = arith.constant 0 : i32
    %dma_wait3A_783 = tpu.memref_slice %arg3[%dma_wait3A_781, %dma_wait3A_782] : memref<9252x16xf32, #tpu.memory_space<hbm>> -> memref<9252x16xf32, #tpu.memory_space<hbm>>
    tpu.wait_indirect_dma semaphore(%arg8 : memref<!tpu.dma_semaphore, #tpu.memory_space<semaphore_mem>>) src(%dma_wait3A_783 : memref<9252x16xf32, #tpu.memory_space<hbm>>) dst(%dma_wait3A_777 : memref<128x16xf32, #tpu.memory_space<vmem>>)
    %dma_wait3A_784 = arith.constant 8 : i32
    %dma_wait3A_785 = arith.constant 1 : i32
    %dma_wait3A_786 = arith.constant 128 : i32
    %dma_wait3A_787 = arith.constant 0 : i32
    %dma_wait3A_788 = tpu.memref_slice %arg6[%dma_wait3A_786, %dma_wait3A_787] : memref<512x16xf32, #tpu.memory_space<vmem>> -> memref<128x16xf32, #tpu.memory_space<vmem>>
    %dma_wait3A_789 = arith.constant 0 : i32
    %dma_wait3A_790 = tpu.memref_slice %arg5[%dma_wait3A_784, %dma_wait3A_785, %dma_wait3A_789] : memref<9x4x128xi32, #tpu.memory_space<vmem>> -> memref<1x1x128xi32, #tpu.memory_space<vmem>>
    %dma_wait3A_791 = tpu.memref_squeeze %dma_wait3A_790 : memref<1x1x128xi32, #tpu.memory_space<vmem>> -> memref<128xi32, #tpu.memory_space<vmem>>
    %dma_wait3A_792 = arith.constant 0 : i32
    %dma_wait3A_793 = arith.constant 0 : i32
    %dma_wait3A_794 = tpu.memref_slice %arg3[%dma_wait3A_792, %dma_wait3A_793] : memref<9252x16xf32, #tpu.memory_space<hbm>> -> memref<9252x16xf32, #tpu.memory_space<hbm>>
    tpu.wait_indirect_dma semaphore(%arg8 : memref<!tpu.dma_semaphore, #tpu.memory_space<semaphore_mem>>) src(%dma_wait3A_794 : memref<9252x16xf32, #tpu.memory_space<hbm>>) dst(%dma_wait3A_788 : memref<128x16xf32, #tpu.memory_space<vmem>>)
    %dma_wait3A_795 = arith.constant 8 : i32
    %dma_wait3A_796 = arith.constant 2 : i32
    %dma_wait3A_797 = arith.constant 256 : i32
    %dma_wait3A_798 = arith.constant 0 : i32
    %dma_wait3A_799 = tpu.memref_slice %arg6[%dma_wait3A_797, %dma_wait3A_798] : memref<512x16xf32, #tpu.memory_space<vmem>> -> memref<128x16xf32, #tpu.memory_space<vmem>>
    %dma_wait3A_800 = arith.constant 0 : i32
    %dma_wait3A_801 = tpu.memref_slice %arg5[%dma_wait3A_795, %dma_wait3A_796, %dma_wait3A_800] : memref<9x4x128xi32, #tpu.memory_space<vmem>> -> memref<1x1x128xi32, #tpu.memory_space<vmem>>
    %dma_wait3A_802 = tpu.memref_squeeze %dma_wait3A_801 : memref<1x1x128xi32, #tpu.memory_space<vmem>> -> memref<128xi32, #tpu.memory_space<vmem>>
    %dma_wait3A_803 = arith.constant 0 : i32
    %dma_wait3A_804 = arith.constant 0 : i32
    %dma_wait3A_805 = tpu.memref_slice %arg3[%dma_wait3A_803, %dma_wait3A_804] : memref<9252x16xf32, #tpu.memory_space<hbm>> -> memref<9252x16xf32, #tpu.memory_space<hbm>>
    tpu.wait_indirect_dma semaphore(%arg8 : memref<!tpu.dma_semaphore, #tpu.memory_space<semaphore_mem>>) src(%dma_wait3A_805 : memref<9252x16xf32, #tpu.memory_space<hbm>>) dst(%dma_wait3A_799 : memref<128x16xf32, #tpu.memory_space<vmem>>)
    %dma_wait3A_806 = arith.constant 8 : i32
    %dma_wait3A_807 = arith.constant 3 : i32
    %dma_wait3A_808 = arith.constant 384 : i32
    %dma_wait3A_809 = arith.constant 0 : i32
    %dma_wait3A_810 = tpu.memref_slice %arg6[%dma_wait3A_808, %dma_wait3A_809] : memref<512x16xf32, #tpu.memory_space<vmem>> -> memref<128x16xf32, #tpu.memory_space<vmem>>
    %dma_wait3A_811 = arith.constant 0 : i32
    %dma_wait3A_812 = tpu.memref_slice %arg5[%dma_wait3A_806, %dma_wait3A_807, %dma_wait3A_811] : memref<9x4x128xi32, #tpu.memory_space<vmem>> -> memref<1x1x128xi32, #tpu.memory_space<vmem>>
    %dma_wait3A_813 = tpu.memref_squeeze %dma_wait3A_812 : memref<1x1x128xi32, #tpu.memory_space<vmem>> -> memref<128xi32, #tpu.memory_space<vmem>>
    %dma_wait3A_814 = arith.constant 0 : i32
    %dma_wait3A_815 = arith.constant 0 : i32
    %dma_wait3A_816 = tpu.memref_slice %arg3[%dma_wait3A_814, %dma_wait3A_815] : memref<9252x16xf32, #tpu.memory_space<hbm>> -> memref<9252x16xf32, #tpu.memory_space<hbm>>
    tpu.wait_indirect_dma semaphore(%arg8 : memref<!tpu.dma_semaphore, #tpu.memory_space<semaphore_mem>>) src(%dma_wait3A_816 : memref<9252x16xf32, #tpu.memory_space<hbm>>) dst(%dma_wait3A_810 : memref<128x16xf32, #tpu.memory_space<vmem>>)
    %mul3A_817 = arith.constant 512 : i32
    %mul3A_818 = arith.muli %add3A, %mul3A_817 : i32
    "tpu.region"() ({
      %run_scoped3A = tpu.sem_alloc : memref<!tpu.dma_semaphore, #tpu.memory_space<semaphore_mem>>
      %dma_start3A_819 = arith.constant 0 : i32
      %dma_start3A_820 = tpu.memref_slice %arg4[%mul3A_818, %dma_start3A_819] : memref<16384x16xf32, #tpu.memory_space<hbm>> -> memref<512x16xf32, #tpu.memory_space<hbm>>
      %dma_start3A_821 = arith.constant 0 : i32
      %dma_start3A_822 = tpu.memref_slice %arg4[%mul3A_818, %dma_start3A_821] : memref<16384x16xf32, #tpu.memory_space<hbm>> -> memref<512x16xf32, #tpu.memory_space<hbm>>
      tpu.enqueue_dma source(%arg6 : memref<512x16xf32, #tpu.memory_space<vmem>>) target(%dma_start3A_822 : memref<512x16xf32, #tpu.memory_space<hbm>>) target_semaphore(%run_scoped3A : memref<!tpu.dma_semaphore, #tpu.memory_space<semaphore_mem>>)
      %dma_wait3A_823 = arith.constant 0 : i32
      %dma_wait3A_824 = tpu.memref_slice %arg4[%mul3A_818, %dma_wait3A_823] : memref<16384x16xf32, #tpu.memory_space<hbm>> -> memref<512x16xf32, #tpu.memory_space<hbm>>
      %dma_wait3A_825 = arith.constant 0 : i32
      %dma_wait3A_826 = tpu.memref_slice %arg4[%mul3A_818, %dma_wait3A_825] : memref<16384x16xf32, #tpu.memory_space<hbm>> -> memref<512x16xf32, #tpu.memory_space<hbm>>
      tpu.wait_dma2 semaphore(%run_scoped3A : memref<!tpu.dma_semaphore, #tpu.memory_space<semaphore_mem>>) src(%arg6 : memref<512x16xf32, #tpu.memory_space<vmem>>) dst(%dma_wait3A_826 : memref<512x16xf32, #tpu.memory_space<hbm>>)
      tpu.yield
    }) : () -> ()
    return
  }
}

</mosaic_0001>

<sc_bundles>
// kernel: kernel.3.cloned.1.call-start
scs
__scs_entry_jumppad:
0x0: {  	(pc) =	sbr.rel $0x88, $3  }
0x1: {  	(tag) =	ssettag $0x0;
	lr =	simm.s32 $0x1  }
0x2: {  	[smem:$0x3F9F] =	sst lr;
	_ =	strace $0xD0000000  }
0x3: {  	_ = 	snop  }
0x4: {  	_ = 	snop  }
0x5: {  	_ = 	snop  }
0x6: {  	_ = 	snop  }
0x7: {  	_ = 	snop  }
__scs_overlays_trampoline_lowered:
0x8: {  	[smem:$0x3FAE] =	sst s0  }
0x9: {  	[smem:$0x3FAF] =	sst s1  }
0xa: {  	[smem:$0x3FB0] =	sst s2  }
0xb: {  	[smem:$0x3FB1] =	sst s3  }
0xc: {  	[smem:$0x3FB2] =	sst s4  }
0xd: {  	[smem:$0x3FB3] =	sst s5  }
0xe: {  	[smem:$0x3FB4] =	sst s6  }
0xf: {  	[smem:$0x3FB5] =	sst s7  }
0x10: {  	[smem:$0x3FB6] =	sst s8  }
0x11: {  	[smem:$0x3FB7] =	sst s9;
	s0 =	simm.s32 @!p0 $0x0  }
0x12: {  	s1 =	sld [smem:$0x3F9D];
	s0 =	simm.s32 @p0 $0x1  }
0x13: {  	[smem:$0x3FB8] =	sst s0;
	s0 =	simm.s32 @!p1 $0x0  }
0x14: {  	s2 =	sld [smem:$0x3F9C];
	s0 =	simm.s32 @p1 $0x1  }
0x15: {  	[smem:$0x3FB9] =	sst s0;
	s0 =	simm.s32 @!p2 $0x0  }
0x16: {  	s3 =	sld [smem:$0x3FDB];
	s0 =	simm.s32 @p2 $0x1  }
0x17: {  	s4 =	simm.s32 $0x1BF5;
	[smem:$0x3FBB] =	sst s0  }
0x18: {  	s0 =	sld [smem:$0x3F9E];
	_ =	swait.ge [sflag:s4], $0x0  }
0x19: {  	s7 =	sld [smem:$0x3F9F]  }
0x1a: {  	s8 =	sadd.s32 $0xFFFFE003, lr  }
0x1b: {  	s9 =	sadd.s32 $0xFFFFFEF7, lr;
	s5 =	simm.s32 $0xFFFFFFFF;
	p2 =	slt.u32 s8, $0xFFFFF086  }
0x1c: {  	p1 =	slt.u32 s9, $0xF7A;
	s5 =	simm.s32 @!p2 $0x0  }
0x1d: {  	s5 =	simm.s32 @p1 $0x1;
	p0 =	seq.s32 s7, s2  }
0x1e: {  	s7 =	smul.u32 @!p0 $0xF7A, s2;
	p2 =	seq.s32 @!p0 s5, $0x0  }
0x1f: {  	s9 =	smul.u32 $0xF7A, s1;
	s8 =	simm.s32 @!p0 $0x1BF5;
	p2 =	por !p2, p0  }
0x20: {  	[sflag:s8] =	ssyncset.s32 @!p0 $0xFFFFF086;
	s6 =	sadd.s32 @!p0 s3, s7;
	s7 =	simm.s32 @!p0 $0x108  }
0x21: {  	s3 =	sadd.s32 s3, s9;
	s6 =	sadd.s32 @!p0 $0x88, s6;
	s7 =	simm.s32 @p2 $0x1082  }
0x22: {  	[simem:s7], [sflag:s8] =	dma.local @!p0 [hbm:s6], $0xF7A  }
0x23: {  	s9 =	sor.u32 $0xD0000000, s2;
	s6 =	simm.s32 $0x108;
	_ =	swait.ge @!p0 [sflag:s8], $0x0  }
0x24: {  	s3 =	sadd.s32 $0x88, s3;
	s6 =	simm.s32 @!p1 $0x1082;
	[sflag:s4] =	ssyncset.s32 $0xFFFFF086  }
0x25: {  	[simem:s6], [sflag:s4] =	dma.local [hbm:s3], $0xF7A  }
0x26: {  	[smem:$0x3F9F] =	sst s1;
	(tag) =	ssettag s2;
	_ =	strace s9  }
0x27: {  	s1 =	sld [smem:$0x3FAF]  }
0x28: {  	s2 =	sld [smem:$0x3FB0]  }
0x29: {  	s4 =	sld [smem:$0x3FB2]  }
0x2a: {  	p0 =	seq.s32 s5, $0x0;
	s5 =	sld [smem:$0x3FB3]  }
0x2b: {  	s6 =	sld [smem:$0x3FB4]  }
0x2c: {  	s7 =	sld [smem:$0x3FB5]  }
0x2d: {  	s3 =	simm.s32 $0x108;
	s8 =	sld [smem:$0x3FB6]  }
0x2e: {  	s3 =	simm.s32 @!p0 $0x1082;
	s9 =	sld [smem:$0x3FB7]  }
0x2f: {  	lr =	sadd.s32 s0, s3;
	s0 =	sld [smem:$0x3FAE]  }
0x30: {  	s3 =	sld [smem:$0x3FB1]  }
0x31: {  	[smem:$0x3FBA] =	sst s10  }
0x32: {  	s10 =	sld [smem:$0x3FB8];
	_ =	sdelay $0x3  }
0x33: {  	p0 =	seq.s32 s10, $0x1;
	s10 =	sld [smem:$0x3FBA];
	_ =	sdelay $0x3  }
0x34: {  	[smem:$0x3FBA] =	sst s10  }
0x35: {  	s10 =	sld [smem:$0x3FB9];
	_ =	sdelay $0x3  }
0x36: {  	p1 =	seq.s32 s10, $0x1;
	s10 =	sld [smem:$0x3FBA];
	_ =	sdelay $0x3  }
0x37: {  	[smem:$0x3FBA] =	sst s10  }
0x38: {  	s10 =	sld [smem:$0x3FBB]  }
0x39: {  	_ = 	snop;
	(pc) =	sbr.ind lr, $3  }
0x3a: {  	_ = 	snop  }
0x3b: {  	_ = 	snop  }
0x3c: {  	p2 =	seq.s32 s10, $0x1;
	s10 =	sld [smem:$0x3FBA]  }
0x3d: {  	_ =	shalt  }
0x3e: {  	_ =	shalt  }
0x3f: {  	_ =	shalt  }
0x40: {  	_ =	shalt  }
0x41: {  	_ =	shalt  }
0x42: {  	_ =	shalt  }
0x43: {  	_ =	shalt  }
0x44: {  	_ =	shalt  }
0x45: {  	_ =	shalt  }
0x46: {  	_ =	shalt  }
0x47: {  	_ =	shalt  }
0x48: {  	_ =	shalt  }
0x49: {  	_ =	shalt  }
0x4a: {  	_ =	shalt  }
0x4b: {  	_ =	shalt  }
0x4c: {  	_ =	shalt  }
0x4d: {  	_ =	shalt  }
0x4e: {  	_ =	shalt  }
0x4f: {  	_ =	shalt  }
0x50: {  	_ =	shalt  }
0x51: {  	_ =	shalt  }
0x52: {  	_ =	shalt  }
0x53: {  	_ =	shalt  }
0x54: {  	_ =	shalt  }
0x55: {  	_ =	shalt  }
0x56: {  	_ =	shalt  }
0x57: {  	_ =	shalt  }
0x58: {  	_ =	shalt  }
0x59: {  	_ =	shalt  }
0x5a: {  	_ =	shalt  }
0x5b: {  	_ =	shalt  }
0x5c: {  	_ =	shalt  }
0x5d: {  	_ =	shalt  }
0x5e: {  	_ =	shalt  }
0x5f: {  	_ =	shalt  }
0x60: {  	_ =	shalt  }
0x61: {  	_ =	shalt  }
0x62: {  	_ =	shalt  }
0x63: {  	_ =	shalt  }
0x64: {  	_ =	shalt  }
0x65: {  	_ =	shalt  }
0x66: {  	_ =	shalt  }
0x67: {  	_ =	shalt  }
0x68: {  	_ =	shalt  }
0x69: {  	_ =	shalt  }
0x6a: {  	_ =	shalt  }
0x6b: {  	_ =	shalt  }
0x6c: {  	_ =	shalt  }
0x6d: {  	_ =	shalt  }
0x6e: {  	_ =	shalt  }
0x6f: {  	_ =	shalt  }
0x70: {  	_ =	shalt  }
0x71: {  	_ =	shalt  }
0x72: {  	_ =	shalt  }
0x73: {  	_ =	shalt  }
0x74: {  	_ =	shalt  }
0x75: {  	_ =	shalt  }
0x76: {  	_ =	shalt  }
0x77: {  	_ =	shalt  }
0x78: {  	_ =	shalt  }
0x79: {  	_ =	shalt  }
0x7a: {  	_ =	shalt  }
0x7b: {  	_ =	shalt  }
0x7c: {  	_ =	shalt  }
0x7d: {  	_ =	shalt  }
0x7e: {  	_ =	shalt  }
0x7f: {  	_ =	shalt  }
0x80: {  	_ =	shalt  }
0x81: {  	_ =	shalt  }
0x82: {  	_ =	shalt  }
0x83: {  	_ =	shalt  }
0x84: {  	_ =	shalt  }
0x85: {  	_ =	shalt  }
0x86: {  	_ =	shalt  }
0x87: {  	_ =	shalt  }
.Lfunc_end0:
.L_simem_size_0:
called_computation_lowered:
.L_overlay_start_0:
0x88: {  	s2 =	sld [smem:$0x3FD9]  }
0x89: {  	s3 =	sld [smem:$0x3FFE];
	_ =	sdelay $0x1  }
0x8a: {  	s1 =	srdreg.scid  }
0x8b: {  	s0 =	sand.u32 $0x1, s1  }
0x8c: {  	s17 =	sshll.u32 s0, $0xA;
	s2 =	sadd.s32 s3, s2  }
0x8d: {  	s2 =	sadd.s32 s2, s17  }
0x8e: {  	[smem:$0x3FC6] =	sst s2  }
0x8f: {  	_ = 	snop  }
0x90: {  	s2 =	sld [smem:$0x3FD0];
	(tm) =	ssettm $0x1  }
0x91: {  	s18 =	sld [smem:$0x3FFB];
	_ =	sdelay $0x3  }
0x92: {  	_ =	strace s18  }
0x93: {  	s3 =	sld [smem:$0x3FFC];
	_ =	sdelay $0x3  }
0x94: {  	_ =	strace s3  }
0x95: {  	s3 =	sld [smem:$0x3FFD];
	_ =	sdelay $0x3  }
0x96: {  	_ =	strace s3  }
0x97: {  	_ =	strace $0x8FFFFFFF  }
0x98: {  	s19 =	sld [smem:$0x3FDB];
	_ =	sdelay $0x1  }
0x99: {  	s4 =	simm.s32 $_scs_section_size  }
0x9a: {  	s5 =	simm.s32 $_size__tile_overlayer_lowered;
	s6 =	simm.s32 $_tile_overlayer_lowered  }
0x9b: {  	s22 =	simm.s32 $0x1BFF;
	s21 =	sshll.u32 s6, $0x1;
	s3 =	sadd.s32 s4, s19  }
0x9c: {  	s7 =	simm.s32 $0x0;
	s20 =	sshll.u32 s5, $0x1;
	s5 =	sadd.s32 s21, s3  }
0x9d: {  	[timem:s7], [sflag:s22] =	dma.local [hbm:s5], s20  }
0x9e: {  	_ =	swait.ge [sflag:s22], s20  }
0x9f: {  	s4 =	ssub.s32 $0x0, s20;
	[sflag:s22] =	ssyncset.done $0x0  }
0xa0: {  	[sflag:s22] =	ssyncadd.s32 s4;
	_ =	sdelay $0x1  }
0xa1: {  	s23 =	simm.s32 $0x1B8B  }
0xa2: {  	_ =	swait.ge [sflag:s23], $0x1  }
0xa3: {  	[sflag:s23] =	ssyncset.done $0x0  }
0xa4: {  	s25 =	simm.s32 $0x1B8E;
	s24 =	sld [smem:$0x3FFE];
	[sflag:s23] =	ssyncadd.s32 $0xFFFFFFFF  }
0xa5: {  	s26 =	simm.s32 $execute0_lowered;
	[smem:$0x3FD2] =	sst s25  }
0xa6: {  	s5 =	sshll.u32 s26, $0x1;
	_ =	strace $0x80000046;
	[dreg:$0x1] =	wrdreg $0xFFFFFFFF  }
0xa7: {  	s28 =	simm.s32 $_size_execute0_lowered;
	s3 =	sadd.s32 s3, s5;
	[dreg:$0x0] =	wrdreg $0x0  }
0xa8: {  	s5 =	sshll.u32 s28, $0x1;
	[dreg:$0x2] =	wrdreg s3  }
0xa9: {  	[dreg:$0x3] =	wrdreg s5  }
0xaa: {  	[dreg:$0x4] =	wrdreg $0xC0  }
0xab: {  	_ =	task [dreg:s7], $0x5FFFF  }
0xac: {  	[dreg:$0x1] =	wrdreg $0xFFFFFFFF  }
0xad: {  	[dreg:$0x0] =	wrdreg $0x60  }
0xae: {  	[dreg:$0x2] =	wrdreg s2  }
0xaf: {  	[dreg:$0x3] =	wrdreg s24  }
0xb0: {  	[dreg:$0x4] =	wrdreg $0x9  }
0xb1: {  	_ =	task.clear_ibuf [dreg:s7], $0x5FFFF;
	_ =	strace $0x90000046  }
0xb2: {  	s29 =	simm.s32 $0x9;
	_ =	strace $0x80000048  }
0xb3: {  	_ =	swait.ge [sflag:s29], $0x1  }
0xb4: {  	[sflag:s29] =	ssyncadd.s32 $0xFFFFFFFF  }
0xb5: {  	_ =	strace $0x90000048  }
0xb6: {  	_ =	sfence  }
0xb7: {  	s30 =	sld [smem:$0x0];
	_ =	sdelay $0x2  }
0xb8: {  	s31 =	sshll.u32 s1, $0xD;
	s1 =	sshrl.u32 s1, $0x2  }
0xb9: {  	s3 =	sand.u32 $0x4000, s31;
	s1 =	sadd.s32 s1, s30  }
0xba: {  	s0 =	sor.u32 s3, s0;
	s1 =	sshll.u32 s1, $0x11  }
0xbb: {  	s0 =	sor.u32 s1, s0  }
0xbc: {  	s0 =	sadd.s32 $0x8F2B, s0  }
0xbd: {  	[sflag:s0] =	ssyncadd.remote.s32 $0x1  }
0xbe: {  	_ =	sfence.sel $0xFFFF  }
0xbf: {  	[dreg:$0x0] =	wrdreg $0xFFFFFFFF;
	(pc) =	sbr.abs _section_cstart, $3  }
0xc0: {  	[dreg:$0x1] =	wrdreg $0xFFFFFFFF  }
0xc1: {  	_ =	task.clear_ibuf [dreg:s7], $0x2FFFF;
	_ =	strace $0x9FFFFFFF  }
0xc2: {  	(tm) =	ssettm $0x7FFFFFFF  }
0xc3: {  	_ =	shalt  }
tec
execute0_lowered:
.L_overlay_start_1:
0x0: {  	(tag) =	ssettag $0x1  }
0x1: {  	s0 =	rddreg [dreg:$0x0]  }
0x2: {  	s1 =	rddreg [dreg:$0x1]  }
0x3: {  	s3 =	srdreg.scid;
	s4 =	stileid.u32;
	s2 =	simm.s32 $0x0  }
0x4: {  	s8 =	simm.s32 $0x80;
	s9 =	simm.s32 $0x1200;
	s10 =	simm.s32 $0x1A00  }
0x5: {  	s12 =	simm.s32 $0x2200;
	s14 =	simm.s32 $0x2A00;
	s11 =	simm.s32 $0xB00  }
0x6: {  	s13 =	simm.s32 $0xB80;
	s15 =	simm.s32 $0xC00;
	s16 =	simm.s32 $0xC80  }
0x7: {  	s17 =	simm.s32 $0xD00;
	s18 =	simm.s32 $0xD80;
	s19 =	simm.s32 $0xE00  }
0x8: {  	s20 =	simm.s32 $0xE80;
	s21 =	simm.s32 $0xF00;
	s22 =	simm.s32 $0xF80  }
0x9: {  	s23 =	simm.s32 $0x1000;
	s24 =	simm.s32 $0x1080;
	s25 =	simm.s32 $0x1100  }
0xa: {  	s26 =	simm.s32 $0x1180;
	s28 =	simm.s32 $0x2;
	s29 =	simm.s32 $0x3  }
0xb: {  	s3 =	sand.u32 $0x1, s3;
	s4 =	sshll.u32 s4, $0x1;
	[smem:$0x7FF] =	sst s2  }
0xc: {  	s30 =	simm.s32 $0x0;
	s4 =	sor.u32 s3, s4;
	_ =	strace $0x80000047  }
0xd: {  	s5 =	ssub.s32 $0x2, s3;
	s6 =	smul.u32 $0x240, s4;
	s4 =	sshll.u32 s4, $0xA  }
0xe: {  	s3 =	sadd.s32 $0x600, s1;
	s7 =	sshrl.u32 s5, $0x1;
	s1 =	sadd.s32 s4, s1  }
0xf: {  	s7 =	ssub.s32 s5, s7;
	s4 =	sadd.s32 s0, s6;
	s5 =	sadd.s32 $0x5000, s1  }
0x10: {  	v0 =	vimm.f32 $0.0e+00;
	s6 =	smax.u32 s7, $0x1;
	s7 =	simm.s32 $0x1;
	s1 =	simm.s32 $0xA80  }
.LBB2_1:
0x11: {  	[tilespmem:s2], [sflag:$0x1] =	stream.linear.gather [hbm4b:s4+s2], $0x1200, $0x38;
	[tilespmem:$0x3200] =	vst v63  }
0x12: {  	s31 =	simm.s32 $0x40;
	s0 =	simm.s32 $0x0  }
.LBB2_2:
0x13: {  	p0 =	sne.s32 s31, $0x7FC0;
	[tilespmem:s0+$0x1200] =	vst v0;
	s0 =	smov.u32 s31;
	s31 =	sadd.s32 $0x40, s31  }
.Ltmp0:
0x14: {  	(pc) =	sbr.rel @p0 .LBB2_2-.Ltmp0, $2  }
0x15: {  	_ =	sdelay $0x2  }
0x16: {  	s0 =	sshra.s32 s0, $0x2  }
0x17: {  	[tilespmem:s0+$0x1200] =	vst v0  }
0x18: {  	_ =	swait.ge [sflag:s7], $0x1200  }
0x19: {  	[sflag:s7] =	ssyncset.done $0x0  }
0x1a: {  	[sflag:s7] =	ssyncadd.s32 $0xFFFFEE00  }
0x1b: {  	[tilespmem:s9], [sflag:$0x2] =	stream.indirect.gather.add.f32 [hbm:s3], $0x10, s2, s8, $0xb8;
	[tilespmem:$0x3200] =	vst v63  }
0x1c: {  	_ = 	snop  }
0x1d: {  	[tilespmem:s10], [sflag:$0x2] =	stream.indirect.gather.add.f32 [hbm:s3], $0x10, s8, s8, $0xb8;
	[tilespmem:$0x3200] =	vst v63  }
0x1e: {  	s31 =	simm.s32 $0x100  }
0x1f: {  	[tilespmem:s12], [sflag:$0x2] =	stream.indirect.gather.add.f32 [hbm:s3], $0x10, s31, s8, $0xb8;
	[tilespmem:$0x3200] =	vst v63  }
0x20: {  	s31 =	simm.s32 $0x180  }
0x21: {  	[tilespmem:s14], [sflag:$0x2] =	stream.indirect.gather.add.f32 [hbm:s3], $0x10, s31, s8, $0xb8;
	[tilespmem:$0x3200] =	vst v63  }
0x22: {  	s31 =	simm.s32 $0x200  }
0x23: {  	[tilespmem:s9], [sflag:$0x2] =	stream.indirect.gather.add.f32 [hbm:s3], $0x10, s31, s8, $0xb8;
	[tilespmem:$0x3200] =	vst v63  }
0x24: {  	s31 =	simm.s32 $0x280  }
0x25: {  	[tilespmem:s10], [sflag:$0x2] =	stream.indirect.gather.add.f32 [hbm:s3], $0x10, s31, s8, $0xb8;
	[tilespmem:$0x3200] =	vst v63  }
0x26: {  	s31 =	simm.s32 $0x300  }
0x27: {  	[tilespmem:s12], [sflag:$0x2] =	stream.indirect.gather.add.f32 [hbm:s3], $0x10, s31, s8, $0xb8;
	[tilespmem:$0x3200] =	vst v63  }
0x28: {  	s31 =	simm.s32 $0x380  }
0x29: {  	[tilespmem:s14], [sflag:$0x2] =	stream.indirect.gather.add.f32 [hbm:s3], $0x10, s31, s8, $0xb8;
	[tilespmem:$0x3200] =	vst v63  }
0x2a: {  	s31 =	simm.s32 $0x400  }
0x2b: {  	[tilespmem:s9], [sflag:$0x2] =	stream.indirect.gather.add.f32 [hbm:s3], $0x10, s31, s8, $0xb8;
	[tilespmem:$0x3200] =	vst v63  }
0x2c: {  	s31 =	simm.s32 $0x480  }
0x2d: {  	[tilespmem:s10], [sflag:$0x2] =	stream.indirect.gather.add.f32 [hbm:s3], $0x10, s31, s8, $0xb8;
	[tilespmem:$0x3200] =	vst v63  }
0x2e: {  	s31 =	simm.s32 $0x500  }
0x2f: {  	[tilespmem:s12], [sflag:$0x2] =	stream.indirect.gather.add.f32 [hbm:s3], $0x10, s31, s8, $0xb8;
	[tilespmem:$0x3200] =	vst v63  }
0x30: {  	s31 =	simm.s32 $0x580  }
0x31: {  	[tilespmem:s14], [sflag:$0x2] =	stream.indirect.gather.add.f32 [hbm:s3], $0x10, s31, s8, $0xb8;
	[tilespmem:$0x3200] =	vst v63  }
0x32: {  	s31 =	simm.s32 $0x600  }
0x33: {  	[tilespmem:s9], [sflag:$0x2] =	stream.indirect.gather.add.f32 [hbm:s3], $0x10, s31, s8, $0xb8;
	[tilespmem:$0x3200] =	vst v63  }
0x34: {  	s31 =	simm.s32 $0x680  }
0x35: {  	[tilespmem:s10], [sflag:$0x2] =	stream.indirect.gather.add.f32 [hbm:s3], $0x10, s31, s8, $0xb8;
	[tilespmem:$0x3200] =	vst v63  }
0x36: {  	s31 =	simm.s32 $0x700  }
0x37: {  	[tilespmem:s12], [sflag:$0x2] =	stream.indirect.gather.add.f32 [hbm:s3], $0x10, s31, s8, $0xb8;
	[tilespmem:$0x3200] =	vst v63  }
0x38: {  	s31 =	simm.s32 $0x780  }
0x39: {  	[tilespmem:s14], [sflag:$0x2] =	stream.indirect.gather.add.f32 [hbm:s3], $0x10, s31, s8, $0xb8;
	[tilespmem:$0x3200] =	vst v63  }
0x3a: {  	s31 =	simm.s32 $0x800  }
0x3b: {  	[tilespmem:s9], [sflag:$0x2] =	stream.indirect.gather.add.f32 [hbm:s3], $0x10, s31, s8, $0xb8;
	[tilespmem:$0x3200] =	vst v63  }
0x3c: {  	s31 =	simm.s32 $0x880  }
0x3d: {  	[tilespmem:s10], [sflag:$0x2] =	stream.indirect.gather.add.f32 [hbm:s3], $0x10, s31, s8, $0xb8;
	[tilespmem:$0x3200] =	vst v63  }
0x3e: {  	s31 =	simm.s32 $0x900  }
0x3f: {  	[tilespmem:s12], [sflag:$0x2] =	stream.indirect.gather.add.f32 [hbm:s3], $0x10, s31, s8, $0xb8;
	[tilespmem:$0x3200] =	vst v63  }
0x40: {  	s31 =	simm.s32 $0x980  }
0x41: {  	[tilespmem:s14], [sflag:$0x2] =	stream.indirect.gather.add.f32 [hbm:s3], $0x10, s31, s8, $0xb8;
	[tilespmem:$0x3200] =	vst v63  }
0x42: {  	s31 =	simm.s32 $0xA00  }
0x43: {  	[tilespmem:s9], [sflag:$0x2] =	stream.indirect.gather.add.f32 [hbm:s3], $0x10, s31, s8, $0xb8;
	[tilespmem:$0x3200] =	vst v63  }
0x44: {  	_ = 	snop  }
0x45: {  	[tilespmem:s10], [sflag:$0x2] =	stream.indirect.gather.add.f32 [hbm:s3], $0x10, s1, s8, $0xb8;
	[tilespmem:$0x3200] =	vst v63  }
0x46: {  	_ = 	snop  }
0x47: {  	[tilespmem:s12], [sflag:$0x2] =	stream.indirect.gather.add.f32 [hbm:s3], $0x10, s11, s8, $0xb8;
	[tilespmem:$0x3200] =	vst v63  }
0x48: {  	_ = 	snop  }
0x49: {  	[tilespmem:s14], [sflag:$0x2] =	stream.indirect.gather.add.f32 [hbm:s3], $0x10, s13, s8, $0xb8;
	[tilespmem:$0x3200] =	vst v63  }
0x4a: {  	_ = 	snop  }
0x4b: {  	[tilespmem:s9], [sflag:$0x2] =	stream.indirect.gather.add.f32 [hbm:s3], $0x10, s15, s8, $0xb8;
	[tilespmem:$0x3200] =	vst v63  }
0x4c: {  	_ = 	snop  }
0x4d: {  	[tilespmem:s10], [sflag:$0x2] =	stream.indirect.gather.add.f32 [hbm:s3], $0x10, s16, s8, $0xb8;
	[tilespmem:$0x3200] =	vst v63  }
0x4e: {  	_ = 	snop  }
0x4f: {  	[tilespmem:s12], [sflag:$0x2] =	stream.indirect.gather.add.f32 [hbm:s3], $0x10, s17, s8, $0xb8;
	[tilespmem:$0x3200] =	vst v63  }
0x50: {  	_ = 	snop  }
0x51: {  	[tilespmem:s14], [sflag:$0x2] =	stream.indirect.gather.add.f32 [hbm:s3], $0x10, s18, s8, $0xb8;
	[tilespmem:$0x3200] =	vst v63  }
0x52: {  	_ = 	snop  }
0x53: {  	[tilespmem:s9], [sflag:$0x2] =	stream.indirect.gather.add.f32 [hbm:s3], $0x10, s19, s8, $0xb8;
	[tilespmem:$0x3200] =	vst v63  }
0x54: {  	_ = 	snop  }
0x55: {  	[tilespmem:s10], [sflag:$0x2] =	stream.indirect.gather.add.f32 [hbm:s3], $0x10, s20, s8, $0xb8;
	[tilespmem:$0x3200] =	vst v63  }
0x56: {  	_ = 	snop  }
0x57: {  	[tilespmem:s12], [sflag:$0x2] =	stream.indirect.gather.add.f32 [hbm:s3], $0x10, s21, s8, $0xb8;
	[tilespmem:$0x3200] =	vst v63  }
0x58: {  	_ = 	snop  }
0x59: {  	[tilespmem:s14], [sflag:$0x2] =	stream.indirect.gather.add.f32 [hbm:s3], $0x10, s22, s8, $0xb8;
	[tilespmem:$0x3200] =	vst v63  }
0x5a: {  	_ = 	snop  }
0x5b: {  	[tilespmem:s9], [sflag:$0x2] =	stream.indirect.gather.add.f32 [hbm:s3], $0x10, s23, s8, $0xb8;
	[tilespmem:$0x3200] =	vst v63  }
0x5c: {  	_ = 	snop  }
0x5d: {  	[tilespmem:s10], [sflag:$0x2] =	stream.indirect.gather.add.f32 [hbm:s3], $0x10, s24, s8, $0xb8;
	[tilespmem:$0x3200] =	vst v63  }
0x5e: {  	_ = 	snop  }
0x5f: {  	[tilespmem:s12], [sflag:$0x2] =	stream.indirect.gather.add.f32 [hbm:s3], $0x10, s25, s8, $0xb8;
	[tilespmem:$0x3200] =	vst v63  }
0x60: {  	_ = 	snop  }
0x61: {  	[tilespmem:s14], [sflag:$0x2] =	stream.indirect.gather.add.f32 [hbm:s3], $0x10, s26, s8, $0xb8;
	[tilespmem:$0x3200] =	vst v63  }
0x62: {  	_ =	swait.ge [sflag:s28], $0x800  }
0x63: {  	[sflag:s28] =	ssyncset.done $0x0  }
0x64: {  	[sflag:s28] =	ssyncadd.s32 $0xFFFFF800  }
0x65: {  	_ =	swait.ge [sflag:s28], $0x800  }
0x66: {  	[sflag:s28] =	ssyncset.done $0x0  }
0x67: {  	[sflag:s28] =	ssyncadd.s32 $0xFFFFF800  }
0x68: {  	_ =	swait.ge [sflag:s28], $0x800  }
0x69: {  	[sflag:s28] =	ssyncset.done $0x0  }
0x6a: {  	[sflag:s28] =	ssyncadd.s32 $0xFFFFF800  }
0x6b: {  	_ =	swait.ge [sflag:s28], $0x800  }
0x6c: {  	[sflag:s28] =	ssyncset.done $0x0  }
0x6d: {  	[sflag:s28] =	ssyncadd.s32 $0xFFFFF800  }
0x6e: {  	_ =	swait.ge [sflag:s28], $0x800  }
0x6f: {  	[sflag:s28] =	ssyncset.done $0x0  }
0x70: {  	[sflag:s28] =	ssyncadd.s32 $0xFFFFF800  }
0x71: {  	_ =	swait.ge [sflag:s28], $0x800  }
0x72: {  	[sflag:s28] =	ssyncset.done $0x0  }
0x73: {  	[sflag:s28] =	ssyncadd.s32 $0xFFFFF800  }
0x74: {  	_ =	swait.ge [sflag:s28], $0x800  }
0x75: {  	[sflag:s28] =	ssyncset.done $0x0  }
0x76: {  	[sflag:s28] =	ssyncadd.s32 $0xFFFFF800  }
0x77: {  	_ =	swait.ge [sflag:s28], $0x800  }
0x78: {  	[sflag:s28] =	ssyncset.done $0x0  }
0x79: {  	[sflag:s28] =	ssyncadd.s32 $0xFFFFF800  }
0x7a: {  	_ =	swait.ge [sflag:s28], $0x800  }
0x7b: {  	[sflag:s28] =	ssyncset.done $0x0  }
0x7c: {  	[sflag:s28] =	ssyncadd.s32 $0xFFFFF800  }
0x7d: {  	_ =	swait.ge [sflag:s28], $0x800  }
0x7e: {  	[sflag:s28] =	ssyncset.done $0x0  }
0x7f: {  	[sflag:s28] =	ssyncadd.s32 $0xFFFFF800  }
0x80: {  	_ =	swait.ge [sflag:s28], $0x800  }
0x81: {  	[sflag:s28] =	ssyncset.done $0x0  }
0x82: {  	[sflag:s28] =	ssyncadd.s32 $0xFFFFF800  }
0x83: {  	_ =	swait.ge [sflag:s28], $0x800  }
0x84: {  	[sflag:s28] =	ssyncset.done $0x0  }
0x85: {  	[sflag:s28] =	ssyncadd.s32 $0xFFFFF800  }
0x86: {  	_ =	swait.ge [sflag:s28], $0x800  }
0x87: {  	[sflag:s28] =	ssyncset.done $0x0  }
0x88: {  	[sflag:s28] =	ssyncadd.s32 $0xFFFFF800  }
0x89: {  	_ =	swait.ge [sflag:s28], $0x800  }
0x8a: {  	[sflag:s28] =	ssyncset.done $0x0  }
0x8b: {  	[sflag:s28] =	ssyncadd.s32 $0xFFFFF800  }
0x8c: {  	_ =	swait.ge [sflag:s28], $0x800  }
0x8d: {  	[sflag:s28] =	ssyncset.done $0x0  }
0x8e: {  	[sflag:s28] =	ssyncadd.s32 $0xFFFFF800  }
0x8f: {  	_ =	swait.ge [sflag:s28], $0x800  }
0x90: {  	[sflag:s28] =	ssyncset.done $0x0  }
0x91: {  	[sflag:s28] =	ssyncadd.s32 $0xFFFFF800  }
0x92: {  	_ =	swait.ge [sflag:s28], $0x800  }
0x93: {  	[sflag:s28] =	ssyncset.done $0x0  }
0x94: {  	[sflag:s28] =	ssyncadd.s32 $0xFFFFF800  }
0x95: {  	_ =	swait.ge [sflag:s28], $0x800  }
0x96: {  	[sflag:s28] =	ssyncset.done $0x0  }
0x97: {  	[sflag:s28] =	ssyncadd.s32 $0xFFFFF800  }
0x98: {  	_ =	swait.ge [sflag:s28], $0x800  }
0x99: {  	[sflag:s28] =	ssyncset.done $0x0  }
0x9a: {  	[sflag:s28] =	ssyncadd.s32 $0xFFFFF800  }
0x9b: {  	_ =	swait.ge [sflag:s28], $0x800  }
0x9c: {  	[sflag:s28] =	ssyncset.done $0x0  }
0x9d: {  	[sflag:s28] =	ssyncadd.s32 $0xFFFFF800  }
0x9e: {  	_ =	swait.ge [sflag:s28], $0x800  }
0x9f: {  	[sflag:s28] =	ssyncset.done $0x0  }
0xa0: {  	[sflag:s28] =	ssyncadd.s32 $0xFFFFF800  }
0xa1: {  	_ =	swait.ge [sflag:s28], $0x800  }
0xa2: {  	[sflag:s28] =	ssyncset.done $0x0  }
0xa3: {  	[sflag:s28] =	ssyncadd.s32 $0xFFFFF800  }
0xa4: {  	_ =	swait.ge [sflag:s28], $0x800  }
0xa5: {  	[sflag:s28] =	ssyncset.done $0x0  }
0xa6: {  	[sflag:s28] =	ssyncadd.s32 $0xFFFFF800  }
0xa7: {  	_ =	swait.ge [sflag:s28], $0x800  }
0xa8: {  	[sflag:s28] =	ssyncset.done $0x0  }
0xa9: {  	[sflag:s28] =	ssyncadd.s32 $0xFFFFF800  }
0xaa: {  	_ =	swait.ge [sflag:s28], $0x800  }
0xab: {  	[sflag:s28] =	ssyncset.done $0x0  }
0xac: {  	[sflag:s28] =	ssyncadd.s32 $0xFFFFF800  }
0xad: {  	_ =	swait.ge [sflag:s28], $0x800  }
0xae: {  	[sflag:s28] =	ssyncset.done $0x0  }
0xaf: {  	[sflag:s28] =	ssyncadd.s32 $0xFFFFF800  }
0xb0: {  	_ =	swait.ge [sflag:s28], $0x800  }
0xb1: {  	[sflag:s28] =	ssyncset.done $0x0  }
0xb2: {  	[sflag:s28] =	ssyncadd.s32 $0xFFFFF800  }
0xb3: {  	_ =	swait.ge [sflag:s28], $0x800  }
0xb4: {  	[sflag:s28] =	ssyncset.done $0x0  }
0xb5: {  	[sflag:s28] =	ssyncadd.s32 $0xFFFFF800  }
0xb6: {  	_ =	swait.ge [sflag:s28], $0x800  }
0xb7: {  	[sflag:s28] =	ssyncset.done $0x0  }
0xb8: {  	[sflag:s28] =	ssyncadd.s32 $0xFFFFF800  }
0xb9: {  	_ =	swait.ge [sflag:s28], $0x800  }
0xba: {  	[sflag:s28] =	ssyncset.done $0x0  }
0xbb: {  	[sflag:s28] =	ssyncadd.s32 $0xFFFFF800  }
0xbc: {  	_ =	swait.ge [sflag:s28], $0x800  }
0xbd: {  	[sflag:s28] =	ssyncset.done $0x0  }
0xbe: {  	[sflag:s28] =	ssyncadd.s32 $0xFFFFF800  }
0xbf: {  	_ =	swait.ge [sflag:s28], $0x800  }
0xc0: {  	[sflag:s28] =	ssyncset.done $0x0  }
0xc1: {  	[sflag:s28] =	ssyncadd.s32 $0xFFFFF800  }
0xc2: {  	_ =	swait.ge [sflag:s28], $0x800  }
0xc3: {  	[sflag:s28] =	ssyncset.done $0x0  }
0xc4: {  	[sflag:s28] =	ssyncadd.s32 $0xFFFFF800  }
0xc5: {  	_ =	swait.ge [sflag:s28], $0x800  }
0xc6: {  	[sflag:s28] =	ssyncset.done $0x0  }
0xc7: {  	[sflag:s28] =	ssyncadd.s32 $0xFFFFF800  }
0xc8: {  	_ =	swait.ge [sflag:s28], $0x800  }
0xc9: {  	[sflag:s28] =	ssyncset.done $0x0  }
0xca: {  	[sflag:s28] =	ssyncadd.s32 $0xFFFFF800  }
0xcb: {  	s30 =	sadd.s32 $0x1, s30;
	_ =	swait.ge [sflag:s28], $0x800  }
0xcc: {  	p0 =	sne.s32 s30, s6;
	[sflag:s28] =	ssyncset.done $0x0  }
.Ltmp1:
0xcd: {  	[sflag:s28] =	ssyncadd.s32 $0xFFFFF800;
	(pc) =	sbr.rel @p0 .LBB2_1-.Ltmp1, $4  }
0xce: {  	[hbm4b:s5+s2] =	stream.linear.scatter [tilespmem:s9], [sflag:$0x3], $0x2000, $0x38;
	[tilespmem:$0x3200] =	vst v63  }
0xcf: {  	_ =	swait.ge [sflag:s29], $0x2000  }
0xd0: {  	[sflag:s29] =	ssyncset.done $0x0  }
0xd1: {  	[sflag:s29] =	ssyncadd.s32 $0xFFFFE000  }
0xd2: {  	_ =	sfence.sel $0x180000  }
0xd3: {  	[bflag:$0x0] =	sbarrier.arrive $0xFFFF  }
0xd4: {  	_ =	strace $0x90000047  }
0xd5: {  	s0 =	stileid.u32;
	[bflag:$0x2] =	sbarrier.arrive $0xFFFF  }
0xd6: {  	p0 =	sne.s32 s0, $0x0;
	s0 =	rddreg [dreg:$0x2]  }
0xd7: {  	s0 =	sadd.s32 @!p0 $0x100000, s0  }
0xd8: {  	[sflag:s0] =	ssyncadd.tile.s32 @!p0 $0x1;
	_ =	shalt  }
.Lfunc_end2:
_tile_overlayer_lowered:
.L_overlay_start_2:
0xd9: {  	(tag) =	ssettag $0x2  }
0xda: {  	s0 =	rddreg [dreg:$0x0];
	s2 =	stileid.u32  }
0xdb: {  	s1 =	rddreg [dreg:$0x1];
	p0 =	sne.s32 s2, $0x0  }
0xdc: {  	s3 =	rddreg [dreg:$0x2];
	[bflag:$0x3] =	sbarrier.arrive $0xFFFF;
	s2 =	simm.s32 @!p0 $0x1C03  }
0xdd: {  	[timem:s3], [sflag:s2] =	dma.local @!p0 [hbm:s0], s1  }
0xde: {  	s0 =	simm.s32 @!p0 $0x3  }
0xdf: {  	_ =	swait.ge @!p0 [sflag:s0], s1  }
0xe0: {  	s1 =	ssub.s32 @!p0 $0x0, s1;
	[sflag:s0] =	ssyncset.done @!p0 $0x0  }
0xe1: {  	[sflag:s0] =	ssyncadd.s32 @!p0 s1  }
0xe2: {  	[bflag:$0x3] =	sbarrier.arrive $0xFFFF  }
0xe3: {  	_ =	shalt  }

</sc_bundles>
